<compile_context>
chip_gen: v7x
topology: tpu7x:2x2x1
jax: 0.10.2.dev20260603
libtpu: 0.0.44.dev20260713+nightly
codegen_flags: <defaults>
</compile_context>

<pallas_src>
import functools

import jax
import jax.numpy as jnp
from jax import lax
from jax.experimental import pallas as pl
from jax.experimental.pallas import tpu as pltpu
from jax.experimental.pallas import tpu_sc as plsc

_NUM_CORES = 2
_NUM_SUBCORES = 16
_NUM_WORKERS = _NUM_CORES * _NUM_SUBCORES

_PAD_N = 56


@functools.partial(jax.jit, static_argnames=("batches_per_worker", "n"))
def _sc_gather(embedding, padded_ids, batches_per_worker, n):
    num_padded = padded_ids.shape[0]
    d = embedding.shape[1]
    rows_per_worker = batches_per_worker * _PAD_N
    num_groups = batches_per_worker // 2
    mesh = plsc.VectorSubcoreMesh(
        core_axis_name="c",
        subcore_axis_name="s",
        num_cores=_NUM_CORES,
        num_subcores=_NUM_SUBCORES,
    )

    @functools.partial(
        pl.kernel,
        out_type=jax.ShapeDtypeStruct((num_padded, d), jnp.float32),
        mesh=mesh,
        scratch_types=[
            pltpu.VMEM((rows_per_worker,), jnp.int32),
            pltpu.VMEM((2, _PAD_N, d), jnp.float32),
            pltpu.SemaphoreType.DMA,
            pltpu.SemaphoreType.DMA,
        ],
    )
    def k(table_hbm, idx_hbm, out_hbm, idx_v, buf_v, gsem0, gsem1):
        gsems = (gsem0, gsem1)
        wid = lax.axis_index("s") * _NUM_CORES + lax.axis_index("c")
        base = wid * rows_per_worker
        pltpu.sync_copy(idx_hbm.at[pl.ds(base, rows_per_worker)], idx_v)

        def start_gather(c, b):
            idx_chunk = idx_v.at[pl.ds(c * _PAD_N, _PAD_N)]
            pltpu.async_copy(table_hbm.at[idx_chunk], buf_v.at[b], gsems[b])

        def wait_gather(c, b):
            idx_chunk = idx_v.at[pl.ds(c * _PAD_N, _PAD_N)]
            pltpu.make_async_copy(
                table_hbm.at[idx_chunk], buf_v.at[b], gsems[b]).wait()

        def scatter(c, b):
            off = pl.multiple_of(base + c * _PAD_N, 8)
            pltpu.sync_copy(buf_v.at[b], out_hbm.at[pl.ds(off, _PAD_N)])

        start_gather(0, 0)

        def body(g, _):
            c = 2 * g
            start_gather(c + 1, 1)
            wait_gather(c, 0)
            scatter(c, 0)
            start_gather(c + 2, 0)
            wait_gather(c + 1, 1)
            scatter(c + 1, 1)
            return _

        lax.fori_loop(0, num_groups - 1, body, None)

        c = batches_per_worker - 2
        start_gather(c + 1, 1)
        wait_gather(c, 0)
        scatter(c, 0)
        wait_gather(c + 1, 1)
        scatter(c + 1, 1)

    return k(embedding, padded_ids)


def kernel(relation_ids, embedding):
    b, n = relation_ids.shape
    d = embedding.shape[1]
    assert b % _NUM_WORKERS == 0 and n <= _PAD_N
    ids = relation_ids.astype(jnp.int32)
    padded = jnp.pad(ids, ((0, 0), (0, _PAD_N - n)), mode="wrap").reshape(-1)
    out = _sc_gather(embedding.astype(jnp.float32), padded, b // _NUM_WORKERS, n)
    return out.reshape(b, _PAD_N, d)[:, :n, :]

# --- scband reference (transcript-rebuilt; emitter-appended) ---
"""Pipeline reference for scband-relation-token-rep-36636071035738 (READ-ONLY COPY).

The authoritative reference and input builder live on the scoring server;
editing this copy changes nothing except your own understanding.
"""

import jax, jax.numpy as jnp
import numpy as np

NUM_RELATIONS = 100
EMBED_DIM = 768  # bert-base-uncased hidden size
B, N = 4096, 50

def setup_inputs(seed: int = 0) -> dict:
    key = jax.random.key(seed)
    k_ids, k_emb = jax.random.split(key)
    relation_ids = jax.random.randint(k_ids, (B, N), 0, NUM_RELATIONS, dtype=jnp.int64 if jax.config.jax_enable_x64 else jnp.int32)
    # Stand-in for the BERT-derived initial relation embeddings (frozen parameter).
    embedding = jax.random.normal(k_emb, (NUM_RELATIONS, EMBED_DIM), dtype=jnp.float32)
    return {"relation_ids": relation_ids, "embedding": embedding}

def reference(relation_ids, embedding):
    # Faithful translation of RelationTokenRep.forward for the 2D case:
    # flatten ids, gather rows from the embedding table, reshape back.
    if relation_ids.ndim == 1:
        return jnp.take(embedding, relation_ids, axis=0)
    b, n = relation_ids.shape
    flat_ids = relation_ids.reshape(-1)
    emb = jnp.take(embedding, flat_ids, axis=0)
    return emb.reshape(b, n, -1)

if __name__ == "__main__":
    import jax
    _d = setup_inputs()
    print(jax.jit(kernel)(*tuple(_d.values())))

</pallas_src>

<mosaic_0001>
#map = affine_map<(d0, d1) -> (0, 0)>
#map1 = affine_map<(d0, d1) -> (0)>
module attributes {stable_mosaic.version = 14 : i64} {
  func.func @k(%arg0: i32, %arg1: i32, %arg2: memref<100x768xf32, #tpu.memory_space<hbm>>, %arg3: memref<229376xi32, #tpu.memory_space<hbm>>, %arg4: memref<229376x768xf32, #tpu.memory_space<hbm>>, %arg5: memref<7168xi32, #tpu.memory_space<vmem>>, %arg6: memref<2x56x768xf32, #tpu.memory_space<vmem>>, %arg7: memref<!tpu.dma_semaphore, #tpu.memory_space<semaphore_mem>>, %arg8: memref<!tpu.dma_semaphore, #tpu.memory_space<semaphore_mem>>) attributes {dimension_semantics = [#tpu.dimension_semantics<core_parallel>, #tpu.dimension_semantics<subcore_parallel>], iteration_bounds = array<i64: 2, 16>, scalar_prefetch = 0 : i64, scratch_operands = 4 : i64, tpu.core_type = #tpu.core_type<sc_vector_subcore>, window_params = [{transform_indices = #map}, {transform_indices = #map1}, {transform_indices = #map}]} {
    %mul3A = arith.constant 2 : i32
    %mul3A_0 = arith.muli %arg1, %mul3A : i32
    %add3A = arith.addi %mul3A_0, %arg0 : i32
    %mul3A_1 = arith.constant 7168 : i32
    %mul3A_2 = arith.muli %add3A, %mul3A_1 : i32
    "tpu.region"() ({
      %run_scoped3A_51 = tpu.sem_alloc : memref<!tpu.dma_semaphore, #tpu.memory_space<semaphore_mem>>
      %dma_start3A_52 = tpu.memref_slice %arg3[%mul3A_2] : memref<229376xi32, #tpu.memory_space<hbm>> -> memref<7168xi32, #tpu.memory_space<hbm>>
      %dma_start3A_53 = tpu.memref_slice %arg3[%mul3A_2] : memref<229376xi32, #tpu.memory_space<hbm>> -> memref<7168xi32, #tpu.memory_space<hbm>>
      tpu.enqueue_dma source(%dma_start3A_53 : memref<7168xi32, #tpu.memory_space<hbm>>) target(%arg5 : memref<7168xi32, #tpu.memory_space<vmem>>) target_semaphore(%run_scoped3A_51 : memref<!tpu.dma_semaphore, #tpu.memory_space<semaphore_mem>>)
      %dma_wait3A_54 = tpu.memref_slice %arg3[%mul3A_2] : memref<229376xi32, #tpu.memory_space<hbm>> -> memref<7168xi32, #tpu.memory_space<hbm>>
      %dma_wait3A_55 = tpu.memref_slice %arg3[%mul3A_2] : memref<229376xi32, #tpu.memory_space<hbm>> -> memref<7168xi32, #tpu.memory_space<hbm>>
      tpu.wait_dma2 semaphore(%run_scoped3A_51 : memref<!tpu.dma_semaphore, #tpu.memory_space<semaphore_mem>>) src(%dma_wait3A_55 : memref<7168xi32, #tpu.memory_space<hbm>>) dst(%arg5 : memref<7168xi32, #tpu.memory_space<vmem>>)
      tpu.yield
    }) : () -> ()
    %dma_start3A = arith.constant 0 : i32
    %dma_start3A_3 = arith.constant 0 : i32
    %dma_start3A_4 = arith.constant 0 : i32
    %dma_start3A_5 = tpu.memref_slice %arg6[%dma_start3A, %dma_start3A_3, %dma_start3A_4] : memref<2x56x768xf32, #tpu.memory_space<vmem>> -> memref<1x56x768xf32, #tpu.memory_space<vmem>>
    %dma_start3A_6 = tpu.memref_squeeze %dma_start3A_5 : memref<1x56x768xf32, #tpu.memory_space<vmem>> -> memref<56x768xf32, #tpu.memory_space<vmem>>
    %dma_start3A_7 = arith.constant 0 : i32
    %dma_start3A_8 = tpu.memref_slice %arg5[%dma_start3A_7] : memref<7168xi32, #tpu.memory_space<vmem>> -> memref<56xi32, #tpu.memory_space<vmem>>
    %dma_start3A_9 = arith.constant 0 : i32
    %dma_start3A_10 = arith.constant 0 : i32
    %dma_start3A_11 = tpu.memref_slice %arg2[%dma_start3A_9, %dma_start3A_10] : memref<100x768xf32, #tpu.memory_space<hbm>> -> memref<100x768xf32, #tpu.memory_space<hbm>>
    tpu.enqueue_indirect_dma source(%dma_start3A_11 : memref<100x768xf32, #tpu.memory_space<hbm>>) target(%dma_start3A_6 : memref<56x768xf32, #tpu.memory_space<vmem>>) offsets(%dma_start3A_8 : memref<56xi32, #tpu.memory_space<vmem>>) semaphore(%arg7 : memref<!tpu.dma_semaphore, #tpu.memory_space<semaphore_mem>>)
    %scan3A = arith.constant 0 : i32
    %scan3A_12 = arith.constant 63 : i32
    %scan3A_13 = arith.addi %scan3A, %scan3A_12 : i32
    %scan3A_14 = arith.constant 1 : i32
    scf.for %scan3A_51 = %scan3A to %scan3A_13 step %scan3A_14  : i32 {
      %mul3A_52 = arith.constant 2 : i32
      %mul3A_53 = arith.muli %mul3A_52, %scan3A_51 : i32
      %add3A_54 = arith.constant 1 : i32
      %add3A_55 = arith.addi %mul3A_53, %add3A_54 : i32
      %mul3A_56 = arith.constant 56 : i32
      %mul3A_57 = arith.muli %add3A_55, %mul3A_56 : i32
      %dma_start3A_58 = arith.constant 1 : i32
      %dma_start3A_59 = arith.constant 0 : i32
      %dma_start3A_60 = arith.constant 0 : i32
      %dma_start3A_61 = tpu.memref_slice %arg6[%dma_start3A_58, %dma_start3A_59, %dma_start3A_60] : memref<2x56x768xf32, #tpu.memory_space<vmem>> -> memref<1x56x768xf32, #tpu.memory_space<vmem>>
      %dma_start3A_62 = tpu.memref_squeeze %dma_start3A_61 : memref<1x56x768xf32, #tpu.memory_space<vmem>> -> memref<56x768xf32, #tpu.memory_space<vmem>>
      %dma_start3A_63 = tpu.memref_slice %arg5[%mul3A_57] : memref<7168xi32, #tpu.memory_space<vmem>> -> memref<56xi32, #tpu.memory_space<vmem>>
      %dma_start3A_64 = arith.constant 0 : i32
      %dma_start3A_65 = arith.constant 0 : i32
      %dma_start3A_66 = tpu.memref_slice %arg2[%dma_start3A_64, %dma_start3A_65] : memref<100x768xf32, #tpu.memory_space<hbm>> -> memref<100x768xf32, #tpu.memory_space<hbm>>
      tpu.enqueue_indirect_dma source(%dma_start3A_66 : memref<100x768xf32, #tpu.memory_space<hbm>>) target(%dma_start3A_62 : memref<56x768xf32, #tpu.memory_space<vmem>>) offsets(%dma_start3A_63 : memref<56xi32, #tpu.memory_space<vmem>>) semaphore(%arg8 : memref<!tpu.dma_semaphore, #tpu.memory_space<semaphore_mem>>)
      %mul3A_67 = arith.constant 56 : i32
      %mul3A_68 = arith.muli %mul3A_53, %mul3A_67 : i32
      %dma_wait3A_69 = arith.constant 0 : i32
      %dma_wait3A_70 = arith.constant 0 : i32
      %dma_wait3A_71 = arith.constant 0 : i32
      %dma_wait3A_72 = tpu.memref_slice %arg6[%dma_wait3A_69, %dma_wait3A_70, %dma_wait3A_71] : memref<2x56x768xf32, #tpu.memory_space<vmem>> -> memref<1x56x768xf32, #tpu.memory_space<vmem>>
      %dma_wait3A_73 = tpu.memref_squeeze %dma_wait3A_72 : memref<1x56x768xf32, #tpu.memory_space<vmem>> -> memref<56x768xf32, #tpu.memory_space<vmem>>
      %dma_wait3A_74 = tpu.memref_slice %arg5[%mul3A_68] : memref<7168xi32, #tpu.memory_space<vmem>> -> memref<56xi32, #tpu.memory_space<vmem>>
      %dma_wait3A_75 = arith.constant 0 : i32
      %dma_wait3A_76 = arith.constant 0 : i32
      %dma_wait3A_77 = tpu.memref_slice %arg2[%dma_wait3A_75, %dma_wait3A_76] : memref<100x768xf32, #tpu.memory_space<hbm>> -> memref<100x768xf32, #tpu.memory_space<hbm>>
      tpu.wait_indirect_dma semaphore(%arg7 : memref<!tpu.dma_semaphore, #tpu.memory_space<semaphore_mem>>) src(%dma_wait3A_77 : memref<100x768xf32, #tpu.memory_space<hbm>>) dst(%dma_wait3A_73 : memref<56x768xf32, #tpu.memory_space<vmem>>)
      %mul3A_78 = arith.constant 56 : i32
      %mul3A_79 = arith.muli %mul3A_53, %mul3A_78 : i32
      %add3A_80 = arith.addi %mul3A_2, %mul3A_79 : i32
      %multiple_of3A_81 = tpu.assume_multiple %add3A_80, 8 : i32
      %run_scoped3A_82 = arith.constant 0 : i32
      "tpu.region"() ({
        %run_scoped3A_116 = tpu.sem_alloc : memref<!tpu.dma_semaphore, #tpu.memory_space<semaphore_mem>>
        %dma_start3A_117 = arith.constant 0 : i32
        %dma_start3A_118 = arith.constant 0 : i32
        %dma_start3A_119 = tpu.memref_slice %arg6[%run_scoped3A_82, %dma_start3A_117, %dma_start3A_118] : memref<2x56x768xf32, #tpu.memory_space<vmem>> -> memref<1x56x768xf32, #tpu.memory_space<vmem>>
        %dma_start3A_120 = tpu.memref_squeeze %dma_start3A_119 : memref<1x56x768xf32, #tpu.memory_space<vmem>> -> memref<56x768xf32, #tpu.memory_space<vmem>>
        %dma_start3A_121 = arith.constant 0 : i32
        %dma_start3A_122 = tpu.memref_slice %arg4[%multiple_of3A_81, %dma_start3A_121] : memref<229376x768xf32, #tpu.memory_space<hbm>> -> memref<56x768xf32, #tpu.memory_space<hbm>>
        %dma_start3A_123 = arith.constant 0 : i32
        %dma_start3A_124 = tpu.memref_slice %arg4[%multiple_of3A_81, %dma_start3A_123] : memref<229376x768xf32, #tpu.memory_space<hbm>> -> memref<56x768xf32, #tpu.memory_space<hbm>>
        %dma_start3A_125 = arith.constant 0 : i32
        %dma_start3A_126 = arith.constant 0 : i32
        %dma_start3A_127 = tpu.memref_slice %arg6[%run_scoped3A_82, %dma_start3A_125, %dma_start3A_126] : memref<2x56x768xf32, #tpu.memory_space<vmem>> -> memref<1x56x768xf32, #tpu.memory_space<vmem>>
        %dma_start3A_128 = tpu.memref_squeeze %dma_start3A_127 : memref<1x56x768xf32, #tpu.memory_space<vmem>> -> memref<56x768xf32, #tpu.memory_space<vmem>>
        tpu.enqueue_dma source(%dma_start3A_128 : memref<56x768xf32, #tpu.memory_space<vmem>>) target(%dma_start3A_124 : memref<56x768xf32, #tpu.memory_space<hbm>>) target_semaphore(%run_scoped3A_116 : memref<!tpu.dma_semaphore, #tpu.memory_space<semaphore_mem>>)
        %dma_wait3A_129 = arith.constant 0 : i32
        %dma_wait3A_130 = arith.constant 0 : i32
        %dma_wait3A_131 = tpu.memref_slice %arg6[%run_scoped3A_82, %dma_wait3A_129, %dma_wait3A_130] : memref<2x56x768xf32, #tpu.memory_space<vmem>> -> memref<1x56x768xf32, #tpu.memory_space<vmem>>
        %dma_wait3A_132 = tpu.memref_squeeze %dma_wait3A_131 : memref<1x56x768xf32, #tpu.memory_space<vmem>> -> memref<56x768xf32, #tpu.memory_space<vmem>>
        %dma_wait3A_133 = arith.constant 0 : i32
        %dma_wait3A_134 = tpu.memref_slice %arg4[%multiple_of3A_81, %dma_wait3A_133] : memref<229376x768xf32, #tpu.memory_space<hbm>> -> memref<56x768xf32, #tpu.memory_space<hbm>>
        %dma_wait3A_135 = arith.constant 0 : i32
        %dma_wait3A_136 = tpu.memref_slice %arg4[%multiple_of3A_81, %dma_wait3A_135] : memref<229376x768xf32, #tpu.memory_space<hbm>> -> memref<56x768xf32, #tpu.memory_space<hbm>>
        %dma_wait3A_137 = arith.constant 0 : i32
        %dma_wait3A_138 = arith.constant 0 : i32
        %dma_wait3A_139 = tpu.memref_slice %arg6[%run_scoped3A_82, %dma_wait3A_137, %dma_wait3A_138] : memref<2x56x768xf32, #tpu.memory_space<vmem>> -> memref<1x56x768xf32, #tpu.memory_space<vmem>>
        %dma_wait3A_140 = tpu.memref_squeeze %dma_wait3A_139 : memref<1x56x768xf32, #tpu.memory_space<vmem>> -> memref<56x768xf32, #tpu.memory_space<vmem>>
        tpu.wait_dma2 semaphore(%run_scoped3A_116 : memref<!tpu.dma_semaphore, #tpu.memory_space<semaphore_mem>>) src(%dma_wait3A_140 : memref<56x768xf32, #tpu.memory_space<vmem>>) dst(%dma_wait3A_136 : memref<56x768xf32, #tpu.memory_space<hbm>>)
        tpu.yield
      }) : () -> ()
      %add3A_83 = arith.constant 2 : i32
      %add3A_84 = arith.addi %mul3A_53, %add3A_83 : i32
      %mul3A_85 = arith.constant 56 : i32
      %mul3A_86 = arith.muli %add3A_84, %mul3A_85 : i32
      %dma_start3A_87 = arith.constant 0 : i32
      %dma_start3A_88 = arith.constant 0 : i32
      %dma_start3A_89 = arith.constant 0 : i32
      %dma_start3A_90 = tpu.memref_slice %arg6[%dma_start3A_87, %dma_start3A_88, %dma_start3A_89] : memref<2x56x768xf32, #tpu.memory_space<vmem>> -> memref<1x56x768xf32, #tpu.memory_space<vmem>>
      %dma_start3A_91 = tpu.memref_squeeze %dma_start3A_90 : memref<1x56x768xf32, #tpu.memory_space<vmem>> -> memref<56x768xf32, #tpu.memory_space<vmem>>
      %dma_start3A_92 = tpu.memref_slice %arg5[%mul3A_86] : memref<7168xi32, #tpu.memory_space<vmem>> -> memref<56xi32, #tpu.memory_space<vmem>>
      %dma_start3A_93 = arith.constant 0 : i32
      %dma_start3A_94 = arith.constant 0 : i32
      %dma_start3A_95 = tpu.memref_slice %arg2[%dma_start3A_93, %dma_start3A_94] : memref<100x768xf32, #tpu.memory_space<hbm>> -> memref<100x768xf32, #tpu.memory_space<hbm>>
      tpu.enqueue_indirect_dma source(%dma_start3A_95 : memref<100x768xf32, #tpu.memory_space<hbm>>) target(%dma_start3A_91 : memref<56x768xf32, #tpu.memory_space<vmem>>) offsets(%dma_start3A_92 : memref<56xi32, #tpu.memory_space<vmem>>) semaphore(%arg7 : memref<!tpu.dma_semaphore, #tpu.memory_space<semaphore_mem>>)
      %add3A_96 = arith.constant 1 : i32
      %add3A_97 = arith.addi %mul3A_53, %add3A_96 : i32
      %mul3A_98 = arith.constant 56 : i32
      %mul3A_99 = arith.muli %add3A_97, %mul3A_98 : i32
      %dma_wait3A_100 = arith.constant 1 : i32
      %dma_wait3A_101 = arith.constant 0 : i32
      %dma_wait3A_102 = arith.constant 0 : i32
      %dma_wait3A_103 = tpu.memref_slice %arg6[%dma_wait3A_100, %dma_wait3A_101, %dma_wait3A_102] : memref<2x56x768xf32, #tpu.memory_space<vmem>> -> memref<1x56x768xf32, #tpu.memory_space<vmem>>
      %dma_wait3A_104 = tpu.memref_squeeze %dma_wait3A_103 : memref<1x56x768xf32, #tpu.memory_space<vmem>> -> memref<56x768xf32, #tpu.memory_space<vmem>>
      %dma_wait3A_105 = tpu.memref_slice %arg5[%mul3A_99] : memref<7168xi32, #tpu.memory_space<vmem>> -> memref<56xi32, #tpu.memory_space<vmem>>
      %dma_wait3A_106 = arith.constant 0 : i32
      %dma_wait3A_107 = arith.constant 0 : i32
      %dma_wait3A_108 = tpu.memref_slice %arg2[%dma_wait3A_106, %dma_wait3A_107] : memref<100x768xf32, #tpu.memory_space<hbm>> -> memref<100x768xf32, #tpu.memory_space<hbm>>
      tpu.wait_indirect_dma semaphore(%arg8 : memref<!tpu.dma_semaphore, #tpu.memory_space<semaphore_mem>>) src(%dma_wait3A_108 : memref<100x768xf32, #tpu.memory_space<hbm>>) dst(%dma_wait3A_104 : memref<56x768xf32, #tpu.memory_space<vmem>>)
      %add3A_109 = arith.constant 1 : i32
      %add3A_110 = arith.addi %mul3A_53, %add3A_109 : i32
      %mul3A_111 = arith.constant 56 : i32
      %mul3A_112 = arith.muli %add3A_110, %mul3A_111 : i32
      %add3A_113 = arith.addi %mul3A_2, %mul3A_112 : i32
      %multiple_of3A_114 = tpu.assume_multiple %add3A_113, 8 : i32
      %run_scoped3A_115 = arith.constant 1 : i32
      "tpu.region"() ({
        %run_scoped3A_116 = tpu.sem_alloc : memref<!tpu.dma_semaphore, #tpu.memory_space<semaphore_mem>>
        %dma_start3A_117 = arith.constant 0 : i32
        %dma_start3A_118 = arith.constant 0 : i32
        %dma_start3A_119 = tpu.memref_slice %arg6[%run_scoped3A_115, %dma_start3A_117, %dma_start3A_118] : memref<2x56x768xf32, #tpu.memory_space<vmem>> -> memref<1x56x768xf32, #tpu.memory_space<vmem>>
        %dma_start3A_120 = tpu.memref_squeeze %dma_start3A_119 : memref<1x56x768xf32, #tpu.memory_space<vmem>> -> memref<56x768xf32, #tpu.memory_space<vmem>>
        %dma_start3A_121 = arith.constant 0 : i32
        %dma_start3A_122 = tpu.memref_slice %arg4[%multiple_of3A_114, %dma_start3A_121] : memref<229376x768xf32, #tpu.memory_space<hbm>> -> memref<56x768xf32, #tpu.memory_space<hbm>>
        %dma_start3A_123 = arith.constant 0 : i32
        %dma_start3A_124 = tpu.memref_slice %arg4[%multiple_of3A_114, %dma_start3A_123] : memref<229376x768xf32, #tpu.memory_space<hbm>> -> memref<56x768xf32, #tpu.memory_space<hbm>>
        %dma_start3A_125 = arith.constant 0 : i32
        %dma_start3A_126 = arith.constant 0 : i32
        %dma_start3A_127 = tpu.memref_slice %arg6[%run_scoped3A_115, %dma_start3A_125, %dma_start3A_126] : memref<2x56x768xf32, #tpu.memory_space<vmem>> -> memref<1x56x768xf32, #tpu.memory_space<vmem>>
        %dma_start3A_128 = tpu.memref_squeeze %dma_start3A_127 : memref<1x56x768xf32, #tpu.memory_space<vmem>> -> memref<56x768xf32, #tpu.memory_space<vmem>>
        tpu.enqueue_dma source(%dma_start3A_128 : memref<56x768xf32, #tpu.memory_space<vmem>>) target(%dma_start3A_124 : memref<56x768xf32, #tpu.memory_space<hbm>>) target_semaphore(%run_scoped3A_116 : memref<!tpu.dma_semaphore, #tpu.memory_space<semaphore_mem>>)
        %dma_wait3A_129 = arith.constant 0 : i32
        %dma_wait3A_130 = arith.constant 0 : i32
        %dma_wait3A_131 = tpu.memref_slice %arg6[%run_scoped3A_115, %dma_wait3A_129, %dma_wait3A_130] : memref<2x56x768xf32, #tpu.memory_space<vmem>> -> memref<1x56x768xf32, #tpu.memory_space<vmem>>
        %dma_wait3A_132 = tpu.memref_squeeze %dma_wait3A_131 : memref<1x56x768xf32, #tpu.memory_space<vmem>> -> memref<56x768xf32, #tpu.memory_space<vmem>>
        %dma_wait3A_133 = arith.constant 0 : i32
        %dma_wait3A_134 = tpu.memref_slice %arg4[%multiple_of3A_114, %dma_wait3A_133] : memref<229376x768xf32, #tpu.memory_space<hbm>> -> memref<56x768xf32, #tpu.memory_space<hbm>>
        %dma_wait3A_135 = arith.constant 0 : i32
        %dma_wait3A_136 = tpu.memref_slice %arg4[%multiple_of3A_114, %dma_wait3A_135] : memref<229376x768xf32, #tpu.memory_space<hbm>> -> memref<56x768xf32, #tpu.memory_space<hbm>>
        %dma_wait3A_137 = arith.constant 0 : i32
        %dma_wait3A_138 = arith.constant 0 : i32
        %dma_wait3A_139 = tpu.memref_slice %arg6[%run_scoped3A_115, %dma_wait3A_137, %dma_wait3A_138] : memref<2x56x768xf32, #tpu.memory_space<vmem>> -> memref<1x56x768xf32, #tpu.memory_space<vmem>>
        %dma_wait3A_140 = tpu.memref_squeeze %dma_wait3A_139 : memref<1x56x768xf32, #tpu.memory_space<vmem>> -> memref<56x768xf32, #tpu.memory_space<vmem>>
        tpu.wait_dma2 semaphore(%run_scoped3A_116 : memref<!tpu.dma_semaphore, #tpu.memory_space<semaphore_mem>>) src(%dma_wait3A_140 : memref<56x768xf32, #tpu.memory_space<vmem>>) dst(%dma_wait3A_136 : memref<56x768xf32, #tpu.memory_space<hbm>>)
        tpu.yield
      }) : () -> ()
    }
    %scan3A_15 = arith.constant 63 : i32
    %dma_start3A_16 = arith.constant 1 : i32
    %dma_start3A_17 = arith.constant 0 : i32
    %dma_start3A_18 = arith.constant 0 : i32
    %dma_start3A_19 = tpu.memref_slice %arg6[%dma_start3A_16, %dma_start3A_17, %dma_start3A_18] : memref<2x56x768xf32, #tpu.memory_space<vmem>> -> memref<1x56x768xf32, #tpu.memory_space<vmem>>
    %dma_start3A_20 = tpu.memref_squeeze %dma_start3A_19 : memref<1x56x768xf32, #tpu.memory_space<vmem>> -> memref<56x768xf32, #tpu.memory_space<vmem>>
    %dma_start3A_21 = arith.constant 7112 : i32
    %dma_start3A_22 = tpu.memref_slice %arg5[%dma_start3A_21] : memref<7168xi32, #tpu.memory_space<vmem>> -> memref<56xi32, #tpu.memory_space<vmem>>
    %dma_start3A_23 = arith.constant 0 : i32
    %dma_start3A_24 = arith.constant 0 : i32
    %dma_start3A_25 = tpu.memref_slice %arg2[%dma_start3A_23, %dma_start3A_24] : memref<100x768xf32, #tpu.memory_space<hbm>> -> memref<100x768xf32, #tpu.memory_space<hbm>>
    tpu.enqueue_indirect_dma source(%dma_start3A_25 : memref<100x768xf32, #tpu.memory_space<hbm>>) target(%dma_start3A_20 : memref<56x768xf32, #tpu.memory_space<vmem>>) offsets(%dma_start3A_22 : memref<56xi32, #tpu.memory_space<vmem>>) semaphore(%arg8 : memref<!tpu.dma_semaphore, #tpu.memory_space<semaphore_mem>>)
    %dma_wait3A = arith.constant 0 : i32
    %dma_wait3A_26 = arith.constant 0 : i32
    %dma_wait3A_27 = arith.constant 0 : i32
    %dma_wait3A_28 = tpu.memref_slice %arg6[%dma_wait3A, %dma_wait3A_26, %dma_wait3A_27] : memref<2x56x768xf32, #tpu.memory_space<vmem>> -> memref<1x56x768xf32, #tpu.memory_space<vmem>>
    %dma_wait3A_29 = tpu.memref_squeeze %dma_wait3A_28 : memref<1x56x768xf32, #tpu.memory_space<vmem>> -> memref<56x768xf32, #tpu.memory_space<vmem>>
    %dma_wait3A_30 = arith.constant 7056 : i32
    %dma_wait3A_31 = tpu.memref_slice %arg5[%dma_wait3A_30] : memref<7168xi32, #tpu.memory_space<vmem>> -> memref<56xi32, #tpu.memory_space<vmem>>
    %dma_wait3A_32 = arith.constant 0 : i32
    %dma_wait3A_33 = arith.constant 0 : i32
    %dma_wait3A_34 = tpu.memref_slice %arg2[%dma_wait3A_32, %dma_wait3A_33] : memref<100x768xf32, #tpu.memory_space<hbm>> -> memref<100x768xf32, #tpu.memory_space<hbm>>
    tpu.wait_indirect_dma semaphore(%arg7 : memref<!tpu.dma_semaphore, #tpu.memory_space<semaphore_mem>>) src(%dma_wait3A_34 : memref<100x768xf32, #tpu.memory_space<hbm>>) dst(%dma_wait3A_29 : memref<56x768xf32, #tpu.memory_space<vmem>>)
    %add3A_35 = arith.constant 7056 : i32
    %add3A_36 = arith.addi %mul3A_2, %add3A_35 : i32
    %multiple_of3A = tpu.assume_multiple %add3A_36, 8 : i32
    %run_scoped3A = arith.constant 0 : i32
    "tpu.region"() ({
      %run_scoped3A_51 = tpu.sem_alloc : memref<!tpu.dma_semaphore, #tpu.memory_space<semaphore_mem>>
      %dma_start3A_52 = arith.constant 0 : i32
      %dma_start3A_53 = arith.constant 0 : i32
      %dma_start3A_54 = tpu.memref_slice %arg6[%run_scoped3A, %dma_start3A_52, %dma_start3A_53] : memref<2x56x768xf32, #tpu.memory_space<vmem>> -> memref<1x56x768xf32, #tpu.memory_space<vmem>>
      %dma_start3A_55 = tpu.memref_squeeze %dma_start3A_54 : memref<1x56x768xf32, #tpu.memory_space<vmem>> -> memref<56x768xf32, #tpu.memory_space<vmem>>
      %dma_start3A_56 = arith.constant 0 : i32
      %dma_start3A_57 = tpu.memref_slice %arg4[%multiple_of3A, %dma_start3A_56] : memref<229376x768xf32, #tpu.memory_space<hbm>> -> memref<56x768xf32, #tpu.memory_space<hbm>>
      %dma_start3A_58 = arith.constant 0 : i32
      %dma_start3A_59 = tpu.memref_slice %arg4[%multiple_of3A, %dma_start3A_58] : memref<229376x768xf32, #tpu.memory_space<hbm>> -> memref<56x768xf32, #tpu.memory_space<hbm>>
      %dma_start3A_60 = arith.constant 0 : i32
      %dma_start3A_61 = arith.constant 0 : i32
      %dma_start3A_62 = tpu.memref_slice %arg6[%run_scoped3A, %dma_start3A_60, %dma_start3A_61] : memref<2x56x768xf32, #tpu.memory_space<vmem>> -> memref<1x56x768xf32, #tpu.memory_space<vmem>>
      %dma_start3A_63 = tpu.memref_squeeze %dma_start3A_62 : memref<1x56x768xf32, #tpu.memory_space<vmem>> -> memref<56x768xf32, #tpu.memory_space<vmem>>
      tpu.enqueue_dma source(%dma_start3A_63 : memref<56x768xf32, #tpu.memory_space<vmem>>) target(%dma_start3A_59 : memref<56x768xf32, #tpu.memory_space<hbm>>) target_semaphore(%run_scoped3A_51 : memref<!tpu.dma_semaphore, #tpu.memory_space<semaphore_mem>>)
      %dma_wait3A_64 = arith.constant 0 : i32
      %dma_wait3A_65 = arith.constant 0 : i32
      %dma_wait3A_66 = tpu.memref_slice %arg6[%run_scoped3A, %dma_wait3A_64, %dma_wait3A_65] : memref<2x56x768xf32, #tpu.memory_space<vmem>> -> memref<1x56x768xf32, #tpu.memory_space<vmem>>
      %dma_wait3A_67 = tpu.memref_squeeze %dma_wait3A_66 : memref<1x56x768xf32, #tpu.memory_space<vmem>> -> memref<56x768xf32, #tpu.memory_space<vmem>>
      %dma_wait3A_68 = arith.constant 0 : i32
      %dma_wait3A_69 = tpu.memref_slice %arg4[%multiple_of3A, %dma_wait3A_68] : memref<229376x768xf32, #tpu.memory_space<hbm>> -> memref<56x768xf32, #tpu.memory_space<hbm>>
      %dma_wait3A_70 = arith.constant 0 : i32
      %dma_wait3A_71 = tpu.memref_slice %arg4[%multiple_of3A, %dma_wait3A_70] : memref<229376x768xf32, #tpu.memory_space<hbm>> -> memref<56x768xf32, #tpu.memory_space<hbm>>
      %dma_wait3A_72 = arith.constant 0 : i32
      %dma_wait3A_73 = arith.constant 0 : i32
      %dma_wait3A_74 = tpu.memref_slice %arg6[%run_scoped3A, %dma_wait3A_72, %dma_wait3A_73] : memref<2x56x768xf32, #tpu.memory_space<vmem>> -> memref<1x56x768xf32, #tpu.memory_space<vmem>>
      %dma_wait3A_75 = tpu.memref_squeeze %dma_wait3A_74 : memref<1x56x768xf32, #tpu.memory_space<vmem>> -> memref<56x768xf32, #tpu.memory_space<vmem>>
      tpu.wait_dma2 semaphore(%run_scoped3A_51 : memref<!tpu.dma_semaphore, #tpu.memory_space<semaphore_mem>>) src(%dma_wait3A_75 : memref<56x768xf32, #tpu.memory_space<vmem>>) dst(%dma_wait3A_71 : memref<56x768xf32, #tpu.memory_space<hbm>>)
      tpu.yield
    }) : () -> ()
    %dma_wait3A_37 = arith.constant 1 : i32
    %dma_wait3A_38 = arith.constant 0 : i32
    %dma_wait3A_39 = arith.constant 0 : i32
    %dma_wait3A_40 = tpu.memref_slice %arg6[%dma_wait3A_37, %dma_wait3A_38, %dma_wait3A_39] : memref<2x56x768xf32, #tpu.memory_space<vmem>> -> memref<1x56x768xf32, #tpu.memory_space<vmem>>
    %dma_wait3A_41 = tpu.memref_squeeze %dma_wait3A_40 : memref<1x56x768xf32, #tpu.memory_space<vmem>> -> memref<56x768xf32, #tpu.memory_space<vmem>>
    %dma_wait3A_42 = arith.constant 7112 : i32
    %dma_wait3A_43 = tpu.memref_slice %arg5[%dma_wait3A_42] : memref<7168xi32, #tpu.memory_space<vmem>> -> memref<56xi32, #tpu.memory_space<vmem>>
    %dma_wait3A_44 = arith.constant 0 : i32
    %dma_wait3A_45 = arith.constant 0 : i32
    %dma_wait3A_46 = tpu.memref_slice %arg2[%dma_wait3A_44, %dma_wait3A_45] : memref<100x768xf32, #tpu.memory_space<hbm>> -> memref<100x768xf32, #tpu.memory_space<hbm>>
    tpu.wait_indirect_dma semaphore(%arg8 : memref<!tpu.dma_semaphore, #tpu.memory_space<semaphore_mem>>) src(%dma_wait3A_46 : memref<100x768xf32, #tpu.memory_space<hbm>>) dst(%dma_wait3A_41 : memref<56x768xf32, #tpu.memory_space<vmem>>)
    %add3A_47 = arith.constant 7112 : i32
    %add3A_48 = arith.addi %mul3A_2, %add3A_47 : i32
    %multiple_of3A_49 = tpu.assume_multiple %add3A_48, 8 : i32
    %run_scoped3A_50 = arith.constant 1 : i32
    "tpu.region"() ({
      %run_scoped3A_51 = tpu.sem_alloc : memref<!tpu.dma_semaphore, #tpu.memory_space<semaphore_mem>>
      %dma_start3A_52 = arith.constant 0 : i32
      %dma_start3A_53 = arith.constant 0 : i32
      %dma_start3A_54 = tpu.memref_slice %arg6[%run_scoped3A_50, %dma_start3A_52, %dma_start3A_53] : memref<2x56x768xf32, #tpu.memory_space<vmem>> -> memref<1x56x768xf32, #tpu.memory_space<vmem>>
      %dma_start3A_55 = tpu.memref_squeeze %dma_start3A_54 : memref<1x56x768xf32, #tpu.memory_space<vmem>> -> memref<56x768xf32, #tpu.memory_space<vmem>>
      %dma_start3A_56 = arith.constant 0 : i32
      %dma_start3A_57 = tpu.memref_slice %arg4[%multiple_of3A_49, %dma_start3A_56] : memref<229376x768xf32, #tpu.memory_space<hbm>> -> memref<56x768xf32, #tpu.memory_space<hbm>>
      %dma_start3A_58 = arith.constant 0 : i32
      %dma_start3A_59 = tpu.memref_slice %arg4[%multiple_of3A_49, %dma_start3A_58] : memref<229376x768xf32, #tpu.memory_space<hbm>> -> memref<56x768xf32, #tpu.memory_space<hbm>>
      %dma_start3A_60 = arith.constant 0 : i32
      %dma_start3A_61 = arith.constant 0 : i32
      %dma_start3A_62 = tpu.memref_slice %arg6[%run_scoped3A_50, %dma_start3A_60, %dma_start3A_61] : memref<2x56x768xf32, #tpu.memory_space<vmem>> -> memref<1x56x768xf32, #tpu.memory_space<vmem>>
      %dma_start3A_63 = tpu.memref_squeeze %dma_start3A_62 : memref<1x56x768xf32, #tpu.memory_space<vmem>> -> memref<56x768xf32, #tpu.memory_space<vmem>>
      tpu.enqueue_dma source(%dma_start3A_63 : memref<56x768xf32, #tpu.memory_space<vmem>>) target(%dma_start3A_59 : memref<56x768xf32, #tpu.memory_space<hbm>>) target_semaphore(%run_scoped3A_51 : memref<!tpu.dma_semaphore, #tpu.memory_space<semaphore_mem>>)
      %dma_wait3A_64 = arith.constant 0 : i32
      %dma_wait3A_65 = arith.constant 0 : i32
      %dma_wait3A_66 = tpu.memref_slice %arg6[%run_scoped3A_50, %dma_wait3A_64, %dma_wait3A_65] : memref<2x56x768xf32, #tpu.memory_space<vmem>> -> memref<1x56x768xf32, #tpu.memory_space<vmem>>
      %dma_wait3A_67 = tpu.memref_squeeze %dma_wait3A_66 : memref<1x56x768xf32, #tpu.memory_space<vmem>> -> memref<56x768xf32, #tpu.memory_space<vmem>>
      %dma_wait3A_68 = arith.constant 0 : i32
      %dma_wait3A_69 = tpu.memref_slice %arg4[%multiple_of3A_49, %dma_wait3A_68] : memref<229376x768xf32, #tpu.memory_space<hbm>> -> memref<56x768xf32, #tpu.memory_space<hbm>>
      %dma_wait3A_70 = arith.constant 0 : i32
      %dma_wait3A_71 = tpu.memref_slice %arg4[%multiple_of3A_49, %dma_wait3A_70] : memref<229376x768xf32, #tpu.memory_space<hbm>> -> memref<56x768xf32, #tpu.memory_space<hbm>>
      %dma_wait3A_72 = arith.constant 0 : i32
      %dma_wait3A_73 = arith.constant 0 : i32
      %dma_wait3A_74 = tpu.memref_slice %arg6[%run_scoped3A_50, %dma_wait3A_72, %dma_wait3A_73] : memref<2x56x768xf32, #tpu.memory_space<vmem>> -> memref<1x56x768xf32, #tpu.memory_space<vmem>>
      %dma_wait3A_75 = tpu.memref_squeeze %dma_wait3A_74 : memref<1x56x768xf32, #tpu.memory_space<vmem>> -> memref<56x768xf32, #tpu.memory_space<vmem>>
      tpu.wait_dma2 semaphore(%run_scoped3A_51 : memref<!tpu.dma_semaphore, #tpu.memory_space<semaphore_mem>>) src(%dma_wait3A_75 : memref<56x768xf32, #tpu.memory_space<vmem>>) dst(%dma_wait3A_71 : memref<56x768xf32, #tpu.memory_space<hbm>>)
      tpu.yield
    }) : () -> ()
    return
  }
}

</mosaic_0001>

<sc_bundles>
// kernel: _sc_gather.3.cloned.1.call-start
scs
__scs_entry_jumppad:
0x0: {  	(pc) =	sbr.rel $0x88, $3  }
0x1: {  	(tag) =	ssettag $0x0;
	lr =	simm.s32 $0x1  }
0x2: {  	[smem:$0x3F9F] =	sst lr;
	_ =	strace $0xD0000000  }
0x3: {  	_ = 	snop  }
0x4: {  	_ = 	snop  }
0x5: {  	_ = 	snop  }
0x6: {  	_ = 	snop  }
0x7: {  	_ = 	snop  }
__scs_overlays_trampoline_lowered:
0x8: {  	[smem:$0x3FAE] =	sst s0  }
0x9: {  	[smem:$0x3FAF] =	sst s1  }
0xa: {  	[smem:$0x3FB0] =	sst s2  }
0xb: {  	[smem:$0x3FB1] =	sst s3  }
0xc: {  	[smem:$0x3FB2] =	sst s4  }
0xd: {  	[smem:$0x3FB3] =	sst s5  }
0xe: {  	[smem:$0x3FB4] =	sst s6  }
0xf: {  	[smem:$0x3FB5] =	sst s7  }
0x10: {  	[smem:$0x3FB6] =	sst s8  }
0x11: {  	[smem:$0x3FB7] =	sst s9;
	s0 =	simm.s32 @!p0 $0x0  }
0x12: {  	s1 =	sld [smem:$0x3F9D];
	s0 =	simm.s32 @p0 $0x1  }
0x13: {  	[smem:$0x3FB8] =	sst s0;
	s0 =	simm.s32 @!p1 $0x0  }
0x14: {  	s2 =	sld [smem:$0x3F9C];
	s0 =	simm.s32 @p1 $0x1  }
0x15: {  	[smem:$0x3FB9] =	sst s0;
	s0 =	simm.s32 @!p2 $0x0  }
0x16: {  	s3 =	sld [smem:$0x3FDB];
	s0 =	simm.s32 @p2 $0x1  }
0x17: {  	s4 =	simm.s32 $0x1BF5;
	[smem:$0x3FBB] =	sst s0  }
0x18: {  	s0 =	sld [smem:$0x3F9E];
	_ =	swait.ge [sflag:s4], $0x0  }
0x19: {  	s7 =	sld [smem:$0x3F9F]  }
0x1a: {  	s8 =	sadd.s32 $0xFFFFE003, lr  }
0x1b: {  	s9 =	sadd.s32 $0xFFFFFEF7, lr;
	s5 =	simm.s32 $0xFFFFFFFF;
	p2 =	slt.u32 s8, $0xFFFFF086  }
0x1c: {  	p1 =	slt.u32 s9, $0xF7A;
	s5 =	simm.s32 @!p2 $0x0  }
0x1d: {  	s5 =	simm.s32 @p1 $0x1;
	p0 =	seq.s32 s7, s2  }
0x1e: {  	s7 =	smul.u32 @!p0 $0xF7A, s2;
	p2 =	seq.s32 @!p0 s5, $0x0  }
0x1f: {  	s9 =	smul.u32 $0xF7A, s1;
	s8 =	simm.s32 @!p0 $0x1BF5;
	p2 =	por !p2, p0  }
0x20: {  	[sflag:s8] =	ssyncset.s32 @!p0 $0xFFFFF086;
	s6 =	sadd.s32 @!p0 s3, s7;
	s7 =	simm.s32 @!p0 $0x108  }
0x21: {  	s3 =	sadd.s32 s3, s9;
	s6 =	sadd.s32 @!p0 $0x88, s6;
	s7 =	simm.s32 @p2 $0x1082  }
0x22: {  	[simem:s7], [sflag:s8] =	dma.local @!p0 [hbm:s6], $0xF7A  }
0x23: {  	s9 =	sor.u32 $0xD0000000, s2;
	s6 =	simm.s32 $0x108;
	_ =	swait.ge @!p0 [sflag:s8], $0x0  }
0x24: {  	s3 =	sadd.s32 $0x88, s3;
	s6 =	simm.s32 @!p1 $0x1082;
	[sflag:s4] =	ssyncset.s32 $0xFFFFF086  }
0x25: {  	[simem:s6], [sflag:s4] =	dma.local [hbm:s3], $0xF7A  }
0x26: {  	[smem:$0x3F9F] =	sst s1;
	(tag) =	ssettag s2;
	_ =	strace s9  }
0x27: {  	s1 =	sld [smem:$0x3FAF]  }
0x28: {  	s2 =	sld [smem:$0x3FB0]  }
0x29: {  	s4 =	sld [smem:$0x3FB2]  }
0x2a: {  	p0 =	seq.s32 s5, $0x0;
	s5 =	sld [smem:$0x3FB3]  }
0x2b: {  	s6 =	sld [smem:$0x3FB4]  }
0x2c: {  	s7 =	sld [smem:$0x3FB5]  }
0x2d: {  	s3 =	simm.s32 $0x108;
	s8 =	sld [smem:$0x3FB6]  }
0x2e: {  	s3 =	simm.s32 @!p0 $0x1082;
	s9 =	sld [smem:$0x3FB7]  }
0x2f: {  	lr =	sadd.s32 s0, s3;
	s0 =	sld [smem:$0x3FAE]  }
0x30: {  	s3 =	sld [smem:$0x3FB1]  }
0x31: {  	[smem:$0x3FBA] =	sst s10  }
0x32: {  	s10 =	sld [smem:$0x3FB8];
	_ =	sdelay $0x3  }
0x33: {  	p0 =	seq.s32 s10, $0x1;
	s10 =	sld [smem:$0x3FBA];
	_ =	sdelay $0x3  }
0x34: {  	[smem:$0x3FBA] =	sst s10  }
0x35: {  	s10 =	sld [smem:$0x3FB9];
	_ =	sdelay $0x3  }
0x36: {  	p1 =	seq.s32 s10, $0x1;
	s10 =	sld [smem:$0x3FBA];
	_ =	sdelay $0x3  }
0x37: {  	[smem:$0x3FBA] =	sst s10  }
0x38: {  	s10 =	sld [smem:$0x3FBB]  }
0x39: {  	_ = 	snop;
	(pc) =	sbr.ind lr, $3  }
0x3a: {  	_ = 	snop  }
0x3b: {  	_ = 	snop  }
0x3c: {  	p2 =	seq.s32 s10, $0x1;
	s10 =	sld [smem:$0x3FBA]  }
0x3d: {  	_ =	shalt  }
0x3e: {  	_ =	shalt  }
0x3f: {  	_ =	shalt  }
0x40: {  	_ =	shalt  }
0x41: {  	_ =	shalt  }
0x42: {  	_ =	shalt  }
0x43: {  	_ =	shalt  }
0x44: {  	_ =	shalt  }
0x45: {  	_ =	shalt  }
0x46: {  	_ =	shalt  }
0x47: {  	_ =	shalt  }
0x48: {  	_ =	shalt  }
0x49: {  	_ =	shalt  }
0x4a: {  	_ =	shalt  }
0x4b: {  	_ =	shalt  }
0x4c: {  	_ =	shalt  }
0x4d: {  	_ =	shalt  }
0x4e: {  	_ =	shalt  }
0x4f: {  	_ =	shalt  }
0x50: {  	_ =	shalt  }
0x51: {  	_ =	shalt  }
0x52: {  	_ =	shalt  }
0x53: {  	_ =	shalt  }
0x54: {  	_ =	shalt  }
0x55: {  	_ =	shalt  }
0x56: {  	_ =	shalt  }
0x57: {  	_ =	shalt  }
0x58: {  	_ =	shalt  }
0x59: {  	_ =	shalt  }
0x5a: {  	_ =	shalt  }
0x5b: {  	_ =	shalt  }
0x5c: {  	_ =	shalt  }
0x5d: {  	_ =	shalt  }
0x5e: {  	_ =	shalt  }
0x5f: {  	_ =	shalt  }
0x60: {  	_ =	shalt  }
0x61: {  	_ =	shalt  }
0x62: {  	_ =	shalt  }
0x63: {  	_ =	shalt  }
0x64: {  	_ =	shalt  }
0x65: {  	_ =	shalt  }
0x66: {  	_ =	shalt  }
0x67: {  	_ =	shalt  }
0x68: {  	_ =	shalt  }
0x69: {  	_ =	shalt  }
0x6a: {  	_ =	shalt  }
0x6b: {  	_ =	shalt  }
0x6c: {  	_ =	shalt  }
0x6d: {  	_ =	shalt  }
0x6e: {  	_ =	shalt  }
0x6f: {  	_ =	shalt  }
0x70: {  	_ =	shalt  }
0x71: {  	_ =	shalt  }
0x72: {  	_ =	shalt  }
0x73: {  	_ =	shalt  }
0x74: {  	_ =	shalt  }
0x75: {  	_ =	shalt  }
0x76: {  	_ =	shalt  }
0x77: {  	_ =	shalt  }
0x78: {  	_ =	shalt  }
0x79: {  	_ =	shalt  }
0x7a: {  	_ =	shalt  }
0x7b: {  	_ =	shalt  }
0x7c: {  	_ =	shalt  }
0x7d: {  	_ =	shalt  }
0x7e: {  	_ =	shalt  }
0x7f: {  	_ =	shalt  }
0x80: {  	_ =	shalt  }
0x81: {  	_ =	shalt  }
0x82: {  	_ =	shalt  }
0x83: {  	_ =	shalt  }
0x84: {  	_ =	shalt  }
0x85: {  	_ =	shalt  }
0x86: {  	_ =	shalt  }
0x87: {  	_ =	shalt  }
.Lfunc_end0:
.L_simem_size_0:
called_computation_lowered:
.L_overlay_start_0:
0x88: {  	s2 =	sld [smem:$0x3FD9]  }
0x89: {  	s3 =	sld [smem:$0x3FFE];
	_ =	sdelay $0x1  }
0x8a: {  	s1 =	srdreg.scid  }
0x8b: {  	s0 =	sand.u32 $0x1, s1  }
0x8c: {  	s18 =	sshll.u32 s0, $0xA;
	s2 =	sadd.s32 s3, s2  }
0x8d: {  	s2 =	sadd.s32 s2, s18  }
0x8e: {  	[smem:$0x3FC6] =	sst s2  }
0x8f: {  	_ = 	snop  }
0x90: {  	s2 =	sld [smem:$0x3FC9]  }
0x91: {  	s19 =	sld [smem:$0x3FC8]  }
0x92: {  	s4 =	sld [smem:$0x3FD0];
	(tm) =	ssettm $0x1  }
0x93: {  	s5 =	sld [smem:$0x3FFB];
	_ =	sdelay $0x3  }
0x94: {  	_ =	strace s5  }
0x95: {  	s5 =	sld [smem:$0x3FFC];
	_ =	sdelay $0x3  }
0x96: {  	_ =	strace s5  }
0x97: {  	s5 =	sld [smem:$0x3FFD];
	_ =	sdelay $0x3  }
0x98: {  	_ =	strace s5  }
0x99: {  	_ =	strace $0x8FFFFFFF  }
0x9a: {  	s20 =	sld [smem:$0x3FDB];
	_ =	sdelay $0x1  }
0x9b: {  	s6 =	simm.s32 $_scs_section_size  }
0x9c: {  	s7 =	simm.s32 $_size__tile_overlayer_lowered;
	s8 =	simm.s32 $_tile_overlayer_lowered  }
0x9d: {  	s23 =	simm.s32 $0x1BFF;
	s22 =	sshll.u32 s8, $0x1;
	s5 =	sadd.s32 s6, s20  }
0x9e: {  	s9 =	simm.s32 $0x0;
	s21 =	sshll.u32 s7, $0x1;
	s7 =	sadd.s32 s22, s5  }
0x9f: {  	[timem:s9], [sflag:s23] =	dma.local [hbm:s7], s21  }
0xa0: {  	_ =	swait.ge [sflag:s23], s21  }
0xa1: {  	s6 =	ssub.s32 $0x0, s21;
	[sflag:s23] =	ssyncset.done $0x0  }
0xa2: {  	[sflag:s23] =	ssyncadd.s32 s6;
	_ =	sdelay $0x1  }
0xa3: {  	s24 =	simm.s32 $0x1B8B  }
0xa4: {  	_ =	swait.ge [sflag:s24], $0x1  }
0xa5: {  	[sflag:s24] =	ssyncset.done $0x0  }
0xa6: {  	s25 =	simm.s32 $0x1B8E;
	[sflag:s24] =	ssyncadd.s32 $0xFFFFFFFF  }
0xa7: {  	s26 =	simm.s32 $execute0_lowered;
	[smem:$0x3FD2] =	sst s25  }
0xa8: {  	s6 =	sshll.u32 s26, $0x1;
	_ =	strace $0x80000046;
	[dreg:$0x1] =	wrdreg $0xFFFFFFFF  }
0xa9: {  	s28 =	simm.s32 $_size_execute0_lowered;
	s5 =	sadd.s32 s5, s6;
	[dreg:$0x0] =	wrdreg $0x0  }
0xaa: {  	s6 =	sshll.u32 s28, $0x1;
	[dreg:$0x2] =	wrdreg s5  }
0xab: {  	[dreg:$0x3] =	wrdreg s6  }
0xac: {  	[dreg:$0x4] =	wrdreg $0xC0  }
0xad: {  	_ =	task [dreg:s9], $0x5FFFF  }
0xae: {  	[dreg:$0x1] =	wrdreg $0xFFFFFFFF  }
0xaf: {  	[dreg:$0x0] =	wrdreg $0x60  }
0xb0: {  	[dreg:$0x2] =	wrdreg s2  }
0xb1: {  	[dreg:$0x3] =	wrdreg s19  }
0xb2: {  	[dreg:$0x4] =	wrdreg s4  }
0xb3: {  	[dreg:$0x5] =	wrdreg $0x9  }
0xb4: {  	_ =	task.clear_ibuf [dreg:s9], $0x6FFFF;
	_ =	strace $0x90000046  }
0xb5: {  	s29 =	simm.s32 $0x9;
	_ =	strace $0x80000048  }
0xb6: {  	_ =	swait.ge [sflag:s29], $0x1  }
0xb7: {  	[sflag:s29] =	ssyncadd.s32 $0xFFFFFFFF  }
0xb8: {  	_ =	strace $0x90000048  }
0xb9: {  	_ =	sfence  }
0xba: {  	s30 =	sld [smem:$0x0];
	_ =	sdelay $0x2  }
0xbb: {  	s31 =	sshll.u32 s1, $0xD;
	s1 =	sshrl.u32 s1, $0x2  }
0xbc: {  	s3 =	sand.u32 $0x4000, s31;
	s1 =	sadd.s32 s1, s30  }
0xbd: {  	s0 =	sor.u32 s3, s0;
	s1 =	sshll.u32 s1, $0x11  }
0xbe: {  	s0 =	sor.u32 s1, s0  }
0xbf: {  	s0 =	sadd.s32 $0x8F2B, s0  }
0xc0: {  	[sflag:s0] =	ssyncadd.remote.s32 $0x1  }
0xc1: {  	_ =	sfence.sel $0xFFFF  }
0xc2: {  	[dreg:$0x0] =	wrdreg $0xFFFFFFFF;
	(pc) =	sbr.abs _section_cstart, $3  }
0xc3: {  	[dreg:$0x1] =	wrdreg $0xFFFFFFFF  }
0xc4: {  	_ =	task.clear_ibuf [dreg:s9], $0x2FFFF;
	_ =	strace $0x9FFFFFFF  }
0xc5: {  	(tm) =	ssettm $0x7FFFFFFF  }
tec
execute0_lowered:
.L_overlay_start_1:
0x0: {  	(tag) =	ssettag $0x1  }
0x1: {  	s1 =	rddreg [dreg:$0x0]  }
0x2: {  	s0 =	srdreg.scid;
	s4 =	rddreg [dreg:$0x1]  }
0x3: {  	s5 =	stileid.u32;
	s7 =	rddreg [dreg:$0x2]  }
0x4: {  	s3 =	simm.s32 $0x0;
	s12 =	simm.s32 $0x4400;
	s13 =	simm.s32 $0x4C00  }
0x5: {  	s14 =	simm.s32 $0x5400;
	s15 =	simm.s32 $0x5C00;
	s16 =	simm.s32 $0x6400  }
0x6: {  	s17 =	simm.s32 $0x6C00;
	s18 =	simm.s32 $0x7400;
	s19 =	simm.s32 $0x7C00  }
0x7: {  	s20 =	simm.s32 $0x8400;
	s21 =	simm.s32 $0x8C00;
	s22 =	simm.s32 $0x9400  }
0x8: {  	s23 =	simm.s32 $0x9C00;
	s24 =	simm.s32 $0xA400;
	s11 =	simm.s32 $0xBC00  }
0x9: {  	s29 =	simm.s32 $0x1;
	s30 =	simm.s32 $0x2;
	s28 =	simm.s32 $0x0  }
0xa: {  	s0 =	sand.u32 $0x1, s0;
	s2 =	sshll.u32 s5, $0x1;
	s5 =	smul.u32 $0x3800, s5  }
0xb: {  	s2 =	sor.u32 s0, s2;
	s6 =	ssub.s32 $0x2, s0;
	s0 =	smul.u32 $0x1C00, s0  }
0xc: {  	[smem:$0x7FF] =	sst s3;
	s2 =	smul.u32 $0x1C00, s2;
	s8 =	sshrl.u32 s6, $0x1  }
0xd: {  	_ =	strace $0x80000047;
	s0 =	sadd.s32 s0, s5;
	s8 =	ssub.s32 s6, s8  }
0xe: {  	s6 =	sadd.s32 $0x200, s1;
	s9 =	sshrl.u32 s2, $0x3;
	s2 =	sadd.s32 $0x1BC8, s2  }
0xf: {  	s5 =	sor.u32 $0x38, s0;
	s0 =	sshrl.u32 s0, $0x3;
	s31 =	smax.u32 s8, $0x1  }
0x10: {  	s8 =	simm.s32 $0x3400;
	s10 =	smul.u32 $0x300, s9;
	s2 =	sshrl.u32 s2, $0x3  }
0x11: {  	s4 =	sadd.s32 s4, s9;
	s0 =	smul.u32 $0x300, s0;
	[dreg:$0x9] =	wrdreg s31  }
0x12: {  	s5 =	sshrl.u32 s5, $0x3;
	s2 =	smul.u32 $0x300, s2;
	[dreg:$0x6] =	wrdreg s4  }
0x13: {  	s25 =	smul.u32 $0x300, s5;
	s5 =	sadd.s32 $0x100, s1;
	s26 =	sadd.s32 s7, s10  }
0x14: {  	s0 =	sadd.s32 s0, s7;
	s10 =	simm.s32 $0x3;
	s9 =	sadd.s32 $0xA5600, s26  }
0x15: {  	s4 =	sadd.s32 s25, s7;
	s2 =	sadd.s32 s7, s2;
	[dreg:$0x5] =	wrdreg s0  }
0x16: {  	v2 =	vlaneseq.u32;
	s0 =	simm.s32 $0x1C00;
	s7 =	simm.s32 $0x2C00;
	[dreg:$0x7] =	wrdreg s9  }
0x17: {  	vm0 =	vmmov $0xffff;
	v1 =	vshrl.u32 v2, $0x3;
	s25 =	simm.s32 $0xAC00;
	s26 =	simm.s32 $0xB400;
	[dreg:$0x8] =	wrdreg s2  }
0x18: {  	v0 =	vand.u32 $0x7, v2;
	v2 =	vor.u32 $0x8, v2;
	v1 =	vmul.u32 $0x8, v1;
	[dreg:$0x4] =	wrdreg s4;
	s4 =	simm.s32 $0x2400;
	s9 =	simm.s32 $0x3C00  }
.LBB2_1:
0x19: {  	[dreg:$0xa] =	wrdreg s28  }
0x1a: {  	s2 =	rddreg [dreg:$0x6]  }
0x1b: {  	[tilespmem:s3], [sflag:$0x3] =	stream.linear.gather [hbm4b:s2+s3], $0x1C00, $0x38;
	[tilespmem:$0x16C00] =	vst v63  }
0x1c: {  	_ =	swait.ge [sflag:s10], $0x1C00  }
0x1d: {  	[sflag:s10] =	ssyncset.done $0x0  }
0x1e: {  	[sflag:s10] =	ssyncadd.s32 $0xFFFFE400  }
0x1f: {  	v3 =	vld [tilespmem:$0x0];
	_ =	sdelay $0x4  }
0x20: {  	v4 =	vshrl.u32 v3, $0x3  }
0x21: {  	v4 =	vmul.u32 $0x30, v4  }
0x22: {  	v3 =	vand.u32 $0x7, v3  }
0x23: {  	v3 =	vor.u32 v3, v4  }
0x24: {  	v4 =	vperm.xlane v3, v0;
	_ =	sdelay $0x1  }
0x25: {  	v4 =	vadd.s32 v1, v4;
	_ =	sdelay $0x3  }
0x26: {  	v3 =	vperm.xlane v3, v2  }
0x27: {  	[tilespmem:s0], [sflag:$0x1] =	stream.indirect_vreg.gather [hbm4b:s1+s3], $0x80, v4, vm0, $0xb8;
	[tilespmem:$0x16C00] =	vst v63  }
0x28: {  	v3 =	vadd.s32 v1, v3  }
0x29: {  	[tilespmem:s4], [sflag:$0x1] =	stream.indirect_vreg.gather [hbm4b:s5+s3], $0x80, v4, vm0, $0xb8;
	[tilespmem:$0x16C00] =	vst v63  }
0x2a: {  	_ = 	snop  }
0x2b: {  	[tilespmem:s7], [sflag:$0x1] =	stream.indirect_vreg.gather [hbm4b:s6+s3], $0x80, v4, vm0, $0xb8;
	[tilespmem:$0x16C00] =	vst v63  }
0x2c: {  	_ = 	snop  }
0x2d: {  	[tilespmem:s8], [sflag:$0x1] =	stream.indirect_vreg.gather [hbm4b:s1+s3], $0x80, v3, vm0, $0xb8;
	[tilespmem:$0x16C00] =	vst v63  }
0x2e: {  	_ = 	snop  }
0x2f: {  	[tilespmem:s9], [sflag:$0x1] =	stream.indirect_vreg.gather [hbm4b:s5+s3], $0x80, v3, vm0, $0xb8;
	[tilespmem:$0x16C00] =	vst v63  }
0x30: {  	_ = 	snop  }
0x31: {  	[tilespmem:s12], [sflag:$0x1] =	stream.indirect_vreg.gather [hbm4b:s6+s3], $0x80, v3, vm0, $0xb8;
	[tilespmem:$0x16C00] =	vst v63  }
0x32: {  	v3 =	vld [tilespmem:$0x10];
	_ =	sdelay $0x4  }
0x33: {  	v61 =	vshrl.u32 v3, $0x3  }
0x34: {  	v4 =	vmul.u32 $0x30, v61  }
0x35: {  	v3 =	vand.u32 $0x7, v3  }
0x36: {  	v3 =	vor.u32 v3, v4  }
0x37: {  	v4 =	vperm.xlane v3, v0;
	_ =	sdelay $0x1  }
0x38: {  	v4 =	vadd.s32 v1, v4;
	_ =	sdelay $0x3  }
0x39: {  	v3 =	vperm.xlane v3, v2  }
0x3a: {  	[tilespmem:s13], [sflag:$0x1] =	stream.indirect_vreg.gather [hbm4b:s1+s3], $0x80, v4, vm0, $0xb8;
	[tilespmem:$0x16C00] =	vst v63  }
0x3b: {  	v3 =	vadd.s32 v1, v3  }
0x3c: {  	[tilespmem:s14], [sflag:$0x1] =	stream.indirect_vreg.gather [hbm4b:s5+s3], $0x80, v4, vm0, $0xb8;
	[tilespmem:$0x16C00] =	vst v63  }
0x3d: {  	_ = 	snop  }
0x3e: {  	[tilespmem:s15], [sflag:$0x1] =	stream.indirect_vreg.gather [hbm4b:s6+s3], $0x80, v4, vm0, $0xb8;
	[tilespmem:$0x16C00] =	vst v63  }
0x3f: {  	_ = 	snop  }
0x40: {  	[tilespmem:s16], [sflag:$0x1] =	stream.indirect_vreg.gather [hbm4b:s1+s3], $0x80, v3, vm0, $0xb8;
	[tilespmem:$0x16C00] =	vst v63  }
0x41: {  	_ = 	snop  }
0x42: {  	[tilespmem:s17], [sflag:$0x1] =	stream.indirect_vreg.gather [hbm4b:s5+s3], $0x80, v3, vm0, $0xb8;
	[tilespmem:$0x16C00] =	vst v63  }
0x43: {  	_ = 	snop  }
0x44: {  	[tilespmem:s18], [sflag:$0x1] =	stream.indirect_vreg.gather [hbm4b:s6+s3], $0x80, v3, vm0, $0xb8;
	[tilespmem:$0x16C00] =	vst v63  }
0x45: {  	v3 =	vld [tilespmem:$0x20];
	_ =	sdelay $0x4  }
0x46: {  	v62 =	vshrl.u32 v3, $0x3  }
0x47: {  	v4 =	vmul.u32 $0x30, v62  }
0x48: {  	v3 =	vand.u32 $0x7, v3  }
0x49: {  	v3 =	vor.u32 v3, v4  }
0x4a: {  	v4 =	vperm.xlane v3, v0;
	_ =	sdelay $0x1  }
0x4b: {  	v4 =	vadd.s32 v1, v4;
	_ =	sdelay $0x3  }
0x4c: {  	v3 =	vperm.xlane v3, v2  }
0x4d: {  	[tilespmem:s19], [sflag:$0x1] =	stream.indirect_vreg.gather [hbm4b:s1+s3], $0x80, v4, vm0, $0xb8;
	[tilespmem:$0x16C00] =	vst v63  }
0x4e: {  	v3 =	vadd.s32 v1, v3  }
0x4f: {  	[tilespmem:s20], [sflag:$0x1] =	stream.indirect_vreg.gather [hbm4b:s5+s3], $0x80, v4, vm0, $0xb8;
	[tilespmem:$0x16C00] =	vst v63  }
0x50: {  	_ = 	snop  }
0x51: {  	[tilespmem:s21], [sflag:$0x1] =	stream.indirect_vreg.gather [hbm4b:s6+s3], $0x80, v4, vm0, $0xb8;
	[tilespmem:$0x16C00] =	vst v63  }
0x52: {  	_ = 	snop  }
0x53: {  	[tilespmem:s22], [sflag:$0x1] =	stream.indirect_vreg.gather [hbm4b:s1+s3], $0x80, v3, vm0, $0xb8;
	[tilespmem:$0x16C00] =	vst v63  }
0x54: {  	_ = 	snop  }
0x55: {  	[tilespmem:s23], [sflag:$0x1] =	stream.indirect_vreg.gather [hbm4b:s5+s3], $0x80, v3, vm0, $0xb8;
	[tilespmem:$0x16C00] =	vst v63  }
0x56: {  	_ = 	snop  }
0x57: {  	[tilespmem:s24], [sflag:$0x1] =	stream.indirect_vreg.gather [hbm4b:s6+s3], $0x80, v3, vm0, $0xb8;
	[tilespmem:$0x16C00] =	vst v63  }
0x58: {  	v3 =	vld.msk [tilespmem:$0x30], $0xff;
	_ =	sdelay $0x4  }
0x59: {  	v63 =	vshrl.u32 v3, $0x3  }
0x5a: {  	v4 =	vmul.u32 $0x30, v63  }
0x5b: {  	v3 =	vand.u32 $0x7, v3  }
0x5c: {  	v3 =	vor.u32 v3, v4  }
0x5d: {  	v3 =	vperm.xlane v3, v0;
	_ =	sdelay $0x1  }
0x5e: {  	v3 =	vadd.s32 v1, v3  }
0x5f: {  	s31 =	simm.s32 $0x58;
	s28 =	simm.s32 $0xB400;
	s2 =	simm.s32 $0x0  }
0x60: {  	s7 =	simm.s32 $0x2400;
	s9 =	simm.s32 $0x3400;
	s12 =	simm.s32 $0x3C00  }
0x61: {  	s13 =	simm.s32 $0x4400;
	s14 =	simm.s32 $0x4C00;
	s15 =	simm.s32 $0x5400  }
0x62: {  	s16 =	simm.s32 $0x5C00;
	s17 =	simm.s32 $0x6400;
	s18 =	simm.s32 $0x6C00  }
0x63: {  	[tilespmem:s25], [sflag:$0x1] =	stream.indirect_vreg.gather [hbm4b:s1+s3], $0x80, v3, vm0, $0xb8;
	[tilespmem:$0x16C00] =	vst v63  }
0x64: {  	s19 =	simm.s32 $0x7400;
	s20 =	simm.s32 $0x7C00;
	s21 =	simm.s32 $0x8400  }
0x65: {  	[tilespmem:s26], [sflag:$0x1] =	stream.indirect_vreg.gather [hbm4b:s5+s3], $0x80, v3, vm0, $0xb8;
	[tilespmem:$0x16C00] =	vst v63  }
0x66: {  	s22 =	simm.s32 $0x8C00;
	s23 =	simm.s32 $0x9400;
	s24 =	simm.s32 $0x9C00  }
0x67: {  	[tilespmem:s11], [sflag:$0x1] =	stream.indirect_vreg.gather [hbm4b:s6+s3], $0x80, v3, vm0, $0xb8;
	[tilespmem:$0x16C00] =	vst v63  }
0x68: {  	s25 =	simm.s32 $0xA400;
	s26 =	simm.s32 $0xAC00;
	s11 =	simm.s32 $0xC400  }
.LBB2_2:
0x69: {  	v3 =	vld [tilespmem:s31+$0xFFFFFFE0];
	_ =	sdelay $0x4  }
0x6a: {  	v4 =	vshrl.u32 v3, $0x3  }
0x6b: {  	v4 =	vmul.u32 $0x30, v4  }
0x6c: {  	v3 =	vand.u32 $0x7, v3  }
0x6d: {  	v3 =	vor.u32 v3, v4  }
0x6e: {  	v4 =	vperm.xlane v3, v0;
	_ =	sdelay $0x1  }
0x6f: {  	v4 =	vadd.s32 v1, v4;
	_ =	sdelay $0x3  }
0x70: {  	v3 =	vperm.xlane v3, v2  }
0x71: {  	[tilespmem:s11], [sflag:$0x2] =	stream.indirect_vreg.gather [hbm4b:s1+s3], $0x80, v4, vm0, $0xb8;
	[tilespmem:$0x16C00] =	vst v63  }
0x72: {  	s0 =	simm.s32 $0xCC00;
	v3 =	vadd.s32 v1, v3  }
0x73: {  	[tilespmem:s0], [sflag:$0x2] =	stream.indirect_vreg.gather [hbm4b:s5+s3], $0x80, v4, vm0, $0xb8;
	[tilespmem:$0x16C00] =	vst v63  }
0x74: {  	s4 =	simm.s32 $0xD400  }
0x75: {  	[tilespmem:s4], [sflag:$0x2] =	stream.indirect_vreg.gather [hbm4b:s6+s3], $0x80, v4, vm0, $0xb8;
	[tilespmem:$0x16C00] =	vst v63  }
0x76: {  	s8 =	simm.s32 $0xDC00  }
0x77: {  	[tilespmem:s8], [sflag:$0x2] =	stream.indirect_vreg.gather [hbm4b:s1+s3], $0x80, v3, vm0, $0xb8;
	[tilespmem:$0x16C00] =	vst v63  }
0x78: {  	s4 =	simm.s32 $0xE400  }
0x79: {  	[tilespmem:s4], [sflag:$0x2] =	stream.indirect_vreg.gather [hbm4b:s5+s3], $0x80, v3, vm0, $0xb8;
	[tilespmem:$0x16C00] =	vst v63  }
0x7a: {  	s8 =	simm.s32 $0xEC00  }
0x7b: {  	[tilespmem:s8], [sflag:$0x2] =	stream.indirect_vreg.gather [hbm4b:s6+s3], $0x80, v3, vm0, $0xb8;
	[tilespmem:$0x16C00] =	vst v63  }
0x7c: {  	v3 =	vld [tilespmem:s31+$0xFFFFFFF0];
	_ =	sdelay $0x4  }
0x7d: {  	v57 =	vshrl.u32 v3, $0x3  }
0x7e: {  	v4 =	vmul.u32 $0x30, v57  }
0x7f: {  	v3 =	vand.u32 $0x7, v3  }
0x80: {  	v3 =	vor.u32 v3, v4  }
0x81: {  	v4 =	vperm.xlane v3, v0;
	_ =	sdelay $0x1  }
0x82: {  	v4 =	vadd.s32 v1, v4;
	_ =	sdelay $0x3  }
0x83: {  	s4 =	simm.s32 $0xF400;
	v3 =	vperm.xlane v3, v2  }
0x84: {  	[tilespmem:s4], [sflag:$0x2] =	stream.indirect_vreg.gather [hbm4b:s1+s3], $0x80, v4, vm0, $0xb8;
	[tilespmem:$0x16C00] =	vst v63  }
0x85: {  	s8 =	simm.s32 $0xFC00;
	v3 =	vadd.s32 v1, v3  }
0x86: {  	[tilespmem:s8], [sflag:$0x2] =	stream.indirect_vreg.gather [hbm4b:s5+s3], $0x80, v4, vm0, $0xb8;
	[tilespmem:$0x16C00] =	vst v63  }
0x87: {  	s4 =	simm.s32 $0x10400  }
0x88: {  	[tilespmem:s4], [sflag:$0x2] =	stream.indirect_vreg.gather [hbm4b:s6+s3], $0x80, v4, vm0, $0xb8;
	[tilespmem:$0x16C00] =	vst v63  }
0x89: {  	s8 =	simm.s32 $0x10C00  }
0x8a: {  	[tilespmem:s8], [sflag:$0x2] =	stream.indirect_vreg.gather [hbm4b:s1+s3], $0x80, v3, vm0, $0xb8;
	[tilespmem:$0x16C00] =	vst v63  }
0x8b: {  	s4 =	simm.s32 $0x11400  }
0x8c: {  	[tilespmem:s4], [sflag:$0x2] =	stream.indirect_vreg.gather [hbm4b:s5+s3], $0x80, v3, vm0, $0xb8;
	[tilespmem:$0x16C00] =	vst v63  }
0x8d: {  	s8 =	simm.s32 $0x11C00  }
0x8e: {  	[tilespmem:s8], [sflag:$0x2] =	stream.indirect_vreg.gather [hbm4b:s6+s3], $0x80, v3, vm0, $0xb8;
	[tilespmem:$0x16C00] =	vst v63  }
0x8f: {  	v3 =	vld [tilespmem:s31+$0x0];
	_ =	sdelay $0x4  }
0x90: {  	v58 =	vshrl.u32 v3, $0x3  }
0x91: {  	v4 =	vmul.u32 $0x30, v58  }
0x92: {  	v3 =	vand.u32 $0x7, v3  }
0x93: {  	v3 =	vor.u32 v3, v4  }
0x94: {  	v4 =	vperm.xlane v3, v0;
	_ =	sdelay $0x1  }
0x95: {  	v4 =	vadd.s32 v1, v4;
	_ =	sdelay $0x3  }
0x96: {  	s4 =	simm.s32 $0x12400;
	v3 =	vperm.xlane v3, v2  }
0x97: {  	[tilespmem:s4], [sflag:$0x2] =	stream.indirect_vreg.gather [hbm4b:s1+s3], $0x80, v4, vm0, $0xb8;
	[tilespmem:$0x16C00] =	vst v63  }
0x98: {  	s8 =	simm.s32 $0x12C00;
	v3 =	vadd.s32 v1, v3  }
0x99: {  	[tilespmem:s8], [sflag:$0x2] =	stream.indirect_vreg.gather [hbm4b:s5+s3], $0x80, v4, vm0, $0xb8;
	[tilespmem:$0x16C00] =	vst v63  }
0x9a: {  	s4 =	simm.s32 $0x13400  }
0x9b: {  	[tilespmem:s4], [sflag:$0x2] =	stream.indirect_vreg.gather [hbm4b:s6+s3], $0x80, v4, vm0, $0xb8;
	[tilespmem:$0x16C00] =	vst v63  }
0x9c: {  	s8 =	simm.s32 $0x13C00  }
0x9d: {  	[tilespmem:s8], [sflag:$0x2] =	stream.indirect_vreg.gather [hbm4b:s1+s3], $0x80, v3, vm0, $0xb8;
	[tilespmem:$0x16C00] =	vst v63  }
0x9e: {  	s4 =	simm.s32 $0x14400  }
0x9f: {  	[tilespmem:s4], [sflag:$0x2] =	stream.indirect_vreg.gather [hbm4b:s5+s3], $0x80, v3, vm0, $0xb8;
	[tilespmem:$0x16C00] =	vst v63  }
0xa0: {  	s8 =	simm.s32 $0x14C00  }
0xa1: {  	[tilespmem:s8], [sflag:$0x2] =	stream.indirect_vreg.gather [hbm4b:s6+s3], $0x80, v3, vm0, $0xb8;
	[tilespmem:$0x16C00] =	vst v63  }
0xa2: {  	v3 =	vld.msk [tilespmem:s31+$0x10], $0xff;
	_ =	sdelay $0x4  }
0xa3: {  	v59 =	vshrl.u32 v3, $0x3  }
0xa4: {  	v4 =	vmul.u32 $0x30, v59  }
0xa5: {  	v3 =	vand.u32 $0x7, v3  }
0xa6: {  	v3 =	vor.u32 v3, v4  }
0xa7: {  	v3 =	vperm.xlane v3, v0;
	_ =	sdelay $0x1  }
0xa8: {  	v3 =	vadd.s32 v1, v3;
	_ =	sdelay $0x3  }
0xa9: {  	s4 =	simm.s32 $0x15400  }
0xaa: {  	[tilespmem:s4], [sflag:$0x2] =	stream.indirect_vreg.gather [hbm4b:s1+s3], $0x80, v3, vm0, $0xb8;
	[tilespmem:$0x16C00] =	vst v63  }
0xab: {  	s8 =	simm.s32 $0x15C00  }
0xac: {  	[tilespmem:s8], [sflag:$0x2] =	stream.indirect_vreg.gather [hbm4b:s5+s3], $0x80, v3, vm0, $0xb8;
	[tilespmem:$0x16C00] =	vst v63  }
0xad: {  	s4 =	simm.s32 $0x16400  }
0xae: {  	[tilespmem:s4], [sflag:$0x2] =	stream.indirect_vreg.gather [hbm4b:s6+s3], $0x80, v3, vm0, $0xb8;
	[tilespmem:$0x16C00] =	vst v63  }
0xaf: {  	_ =	swait.ge [sflag:s29], $0xA800  }
0xb0: {  	s4 =	rddreg [dreg:$0x5];
	[sflag:s29] =	ssyncset.done $0x0  }
0xb1: {  	s8 =	simm.s32 $0x1C00;
	[sflag:s29] =	ssyncadd.s32 $0xFFFF5800;
	s4 =	sadd.s32 s2, s4  }
0xb2: {  	[hbm4b:s4+s3] =	stream.linear.scatter [tilespmem:s8], [sflag:$0x3], $0xA800, $0x38;
	[tilespmem:$0x16C00] =	vst v63  }
0xb3: {  	_ =	swait.ge [sflag:s10], $0xA800  }
0xb4: {  	[sflag:s10] =	ssyncset.done $0x0  }
0xb5: {  	[sflag:s10] =	ssyncadd.s32 $0xFFFF5800  }
0xb6: {  	v3 =	vld [tilespmem:s31+$0x18];
	_ =	sdelay $0x4  }
0xb7: {  	v60 =	vshrl.u32 v3, $0x3  }
0xb8: {  	v4 =	vmul.u32 $0x30, v60  }
0xb9: {  	v3 =	vand.u32 $0x7, v3  }
0xba: {  	v3 =	vor.u32 v3, v4  }
0xbb: {  	v4 =	vperm.xlane v3, v0;
	_ =	sdelay $0x1  }
0xbc: {  	v4 =	vadd.s32 v1, v4;
	_ =	sdelay $0x3  }
0xbd: {  	v3 =	vperm.xlane v3, v2  }
0xbe: {  	[tilespmem:s8], [sflag:$0x1] =	stream.indirect_vreg.gather [hbm4b:s1+s3], $0x80, v4, vm0, $0xb8;
	[tilespmem:$0x16C00] =	vst v63  }
0xbf: {  	v3 =	vadd.s32 v1, v3  }
0xc0: {  	[tilespmem:s7], [sflag:$0x1] =	stream.indirect_vreg.gather [hbm4b:s5+s3], $0x80, v4, vm0, $0xb8;
	[tilespmem:$0x16C00] =	vst v63  }
0xc1: {  	s8 =	simm.s32 $0x2C00  }
0xc2: {  	[tilespmem:s8], [sflag:$0x1] =	stream.indirect_vreg.gather [hbm4b:s6+s3], $0x80, v4, vm0, $0xb8;
	[tilespmem:$0x16C00] =	vst v63  }
0xc3: {  	_ = 	snop  }
0xc4: {  	[tilespmem:s9], [sflag:$0x1] =	stream.indirect_vreg.gather [hbm4b:s1+s3], $0x80, v3, vm0, $0xb8;
	[tilespmem:$0x16C00] =	vst v63  }
0xc5: {  	_ = 	snop  }
0xc6: {  	[tilespmem:s12], [sflag:$0x1] =	stream.indirect_vreg.gather [hbm4b:s5+s3], $0x80, v3, vm0, $0xb8;
	[tilespmem:$0x16C00] =	vst v63  }
0xc7: {  	_ = 	snop  }
0xc8: {  	[tilespmem:s13], [sflag:$0x1] =	stream.indirect_vreg.gather [hbm4b:s6+s3], $0x80, v3, vm0, $0xb8;
	[tilespmem:$0x16C00] =	vst v63  }
0xc9: {  	v3 =	vld [tilespmem:s31+$0x28];
	_ =	sdelay $0x4  }
0xca: {  	v61 =	vshrl.u32 v3, $0x3  }
0xcb: {  	v4 =	vmul.u32 $0x30, v61  }
0xcc: {  	v3 =	vand.u32 $0x7, v3  }
0xcd: {  	v3 =	vor.u32 v3, v4  }
0xce: {  	v4 =	vperm.xlane v3, v0;
	_ =	sdelay $0x1  }
0xcf: {  	v4 =	vadd.s32 v1, v4;
	_ =	sdelay $0x3  }
0xd0: {  	v3 =	vperm.xlane v3, v2  }
0xd1: {  	[tilespmem:s14], [sflag:$0x1] =	stream.indirect_vreg.gather [hbm4b:s1+s3], $0x80, v4, vm0, $0xb8;
	[tilespmem:$0x16C00] =	vst v63  }
0xd2: {  	v3 =	vadd.s32 v1, v3  }
0xd3: {  	[tilespmem:s15], [sflag:$0x1] =	stream.indirect_vreg.gather [hbm4b:s5+s3], $0x80, v4, vm0, $0xb8;
	[tilespmem:$0x16C00] =	vst v63  }
0xd4: {  	_ = 	snop  }
0xd5: {  	[tilespmem:s16], [sflag:$0x1] =	stream.indirect_vreg.gather [hbm4b:s6+s3], $0x80, v4, vm0, $0xb8;
	[tilespmem:$0x16C00] =	vst v63  }
0xd6: {  	_ = 	snop  }
0xd7: {  	[tilespmem:s17], [sflag:$0x1] =	stream.indirect_vreg.gather [hbm4b:s1+s3], $0x80, v3, vm0, $0xb8;
	[tilespmem:$0x16C00] =	vst v63  }
0xd8: {  	_ = 	snop  }
0xd9: {  	[tilespmem:s18], [sflag:$0x1] =	stream.indirect_vreg.gather [hbm4b:s5+s3], $0x80, v3, vm0, $0xb8;
	[tilespmem:$0x16C00] =	vst v63  }
0xda: {  	_ = 	snop  }
0xdb: {  	[tilespmem:s19], [sflag:$0x1] =	stream.indirect_vreg.gather [hbm4b:s6+s3], $0x80, v3, vm0, $0xb8;
	[tilespmem:$0x16C00] =	vst v63  }
0xdc: {  	v3 =	vld [tilespmem:s31+$0x38];
	_ =	sdelay $0x4  }
0xdd: {  	v62 =	vshrl.u32 v3, $0x3  }
0xde: {  	v4 =	vmul.u32 $0x30, v62  }
0xdf: {  	v3 =	vand.u32 $0x7, v3  }
0xe0: {  	v3 =	vor.u32 v3, v4  }
0xe1: {  	v4 =	vperm.xlane v3, v0;
	_ =	sdelay $0x1  }
0xe2: {  	v4 =	vadd.s32 v1, v4;
	_ =	sdelay $0x3  }
0xe3: {  	v3 =	vperm.xlane v3, v2  }
0xe4: {  	[tilespmem:s20], [sflag:$0x1] =	stream.indirect_vreg.gather [hbm4b:s1+s3], $0x80, v4, vm0, $0xb8;
	[tilespmem:$0x16C00] =	vst v63  }
0xe5: {  	v3 =	vadd.s32 v1, v3  }
0xe6: {  	[tilespmem:s21], [sflag:$0x1] =	stream.indirect_vreg.gather [hbm4b:s5+s3], $0x80, v4, vm0, $0xb8;
	[tilespmem:$0x16C00] =	vst v63  }
0xe7: {  	_ = 	snop  }
0xe8: {  	[tilespmem:s22], [sflag:$0x1] =	stream.indirect_vreg.gather [hbm4b:s6+s3], $0x80, v4, vm0, $0xb8;
	[tilespmem:$0x16C00] =	vst v63  }
0xe9: {  	_ = 	snop  }
0xea: {  	[tilespmem:s23], [sflag:$0x1] =	stream.indirect_vreg.gather [hbm4b:s1+s3], $0x80, v3, vm0, $0xb8;
	[tilespmem:$0x16C00] =	vst v63  }
0xeb: {  	_ = 	snop  }
0xec: {  	[tilespmem:s24], [sflag:$0x1] =	stream.indirect_vreg.gather [hbm4b:s5+s3], $0x80, v3, vm0, $0xb8;
	[tilespmem:$0x16C00] =	vst v63  }
0xed: {  	_ = 	snop  }
0xee: {  	[tilespmem:s25], [sflag:$0x1] =	stream.indirect_vreg.gather [hbm4b:s6+s3], $0x80, v3, vm0, $0xb8;
	[tilespmem:$0x16C00] =	vst v63  }
0xef: {  	v3 =	vld.msk [tilespmem:s31+$0x48], $0xff;
	_ =	sdelay $0x4  }
0xf0: {  	v63 =	vshrl.u32 v3, $0x3  }
0xf1: {  	v4 =	vmul.u32 $0x30, v63  }
0xf2: {  	v3 =	vand.u32 $0x7, v3  }
0xf3: {  	v3 =	vor.u32 v3, v4  }
0xf4: {  	v3 =	vperm.xlane v3, v0;
	_ =	sdelay $0x1  }
0xf5: {  	v3 =	vadd.s32 v1, v3;
	_ =	sdelay $0x4  }
0xf6: {  	[tilespmem:s26], [sflag:$0x1] =	stream.indirect_vreg.gather [hbm4b:s1+s3], $0x80, v3, vm0, $0xb8;
	[tilespmem:$0x16C00] =	vst v63  }
0xf7: {  	_ = 	snop  }
0xf8: {  	[tilespmem:s28], [sflag:$0x1] =	stream.indirect_vreg.gather [hbm4b:s5+s3], $0x80, v3, vm0, $0xb8;
	[tilespmem:$0x16C00] =	vst v63  }
0xf9: {  	s8 =	simm.s32 $0xBC00  }
0xfa: {  	[tilespmem:s8], [sflag:$0x1] =	stream.indirect_vreg.gather [hbm4b:s6+s3], $0x80, v3, vm0, $0xb8;
	[tilespmem:$0x16C00] =	vst v63  }
0xfb: {  	_ =	swait.ge [sflag:s30], $0xA800  }
0xfc: {  	p0 =	sne.s32 s2, $0xA2C00;
	s8 =	rddreg [dreg:$0x4];
	[sflag:s30] =	ssyncset.done $0x0  }
.Ltmp0:
0xfd: {  	[sflag:s30] =	ssyncadd.s32 $0xFFFF5800;
	s4 =	sadd.s32 s2, s8;
	(pc) =	sbr.rel @p0 .LBB2_2-.Ltmp0, $4  }
0xfe: {  	[hbm4b:s4+s3] =	stream.linear.scatter [tilespmem:s11], [sflag:$0x3], $0xA800, $0x38;
	[tilespmem:$0x16C00] =	vst v63  }
0xff: {  	_ =	swait.ge [sflag:s10], $0xA800  }
0x100: {  	s0 =	simm.s32 $0x1C00;
	[sflag:s10] =	ssyncset.done $0x0  }
0x101: {  	s31 =	sadd.s32 $0x70, s31;
	s2 =	sadd.s32 $0x2A00, s2;
	[sflag:s10] =	ssyncadd.s32 $0xFFFF5800  }
0x102: {  	v3 =	vld [tilespmem:$0x1BC8];
	_ =	sdelay $0x4  }
0x103: {  	v4 =	vshrl.u32 v3, $0x3  }
0x104: {  	v4 =	vmul.u32 $0x30, v4  }
0x105: {  	v3 =	vand.u32 $0x7, v3  }
0x106: {  	v3 =	vor.u32 v3, v4  }
0x107: {  	v4 =	vperm.xlane v3, v0;
	_ =	sdelay $0x1  }
0x108: {  	v4 =	vadd.s32 v1, v4;
	_ =	sdelay $0x3  }
0x109: {  	v3 =	vperm.xlane v3, v2  }
0x10a: {  	[tilespmem:s11], [sflag:$0x2] =	stream.indirect_vreg.gather [hbm4b:s1+s3], $0x80, v4, vm0, $0xb8;
	[tilespmem:$0x16C00] =	vst v63  }
0x10b: {  	s2 =	simm.s32 $0xCC00;
	v3 =	vadd.s32 v1, v3  }
0x10c: {  	[tilespmem:s2], [sflag:$0x2] =	stream.indirect_vreg.gather [hbm4b:s5+s3], $0x80, v4, vm0, $0xb8;
	[tilespmem:$0x16C00] =	vst v63  }
0x10d: {  	s26 =	simm.s32 $0xD400  }
0x10e: {  	[tilespmem:s26], [sflag:$0x2] =	stream.indirect_vreg.gather [hbm4b:s6+s3], $0x80, v4, vm0, $0xb8;
	[tilespmem:$0x16C00] =	vst v63  }
0x10f: {  	s31 =	simm.s32 $0xDC00  }
0x110: {  	[tilespmem:s31], [sflag:$0x2] =	stream.indirect_vreg.gather [hbm4b:s1+s3], $0x80, v3, vm0, $0xb8;
	[tilespmem:$0x16C00] =	vst v63  }
0x111: {  	s4 =	simm.s32 $0xE400  }
0x112: {  	[tilespmem:s4], [sflag:$0x2] =	stream.indirect_vreg.gather [hbm4b:s5+s3], $0x80, v3, vm0, $0xb8;
	[tilespmem:$0x16C00] =	vst v63  }
0x113: {  	s7 =	simm.s32 $0xEC00  }
0x114: {  	[tilespmem:s7], [sflag:$0x2] =	stream.indirect_vreg.gather [hbm4b:s6+s3], $0x80, v3, vm0, $0xb8;
	[tilespmem:$0x16C00] =	vst v63  }
0x115: {  	v3 =	vld [tilespmem:$0x1BD8];
	_ =	sdelay $0x4  }
0x116: {  	v61 =	vshrl.u32 v3, $0x3  }
0x117: {  	v4 =	vmul.u32 $0x30, v61  }
0x118: {  	v3 =	vand.u32 $0x7, v3  }
0x119: {  	v3 =	vor.u32 v3, v4  }
0x11a: {  	v4 =	vperm.xlane v3, v0;
	_ =	sdelay $0x1  }
0x11b: {  	v4 =	vadd.s32 v1, v4;
	_ =	sdelay $0x3  }
0x11c: {  	s8 =	simm.s32 $0xF400;
	v3 =	vperm.xlane v3, v2  }
0x11d: {  	[tilespmem:s8], [sflag:$0x2] =	stream.indirect_vreg.gather [hbm4b:s1+s3], $0x80, v4, vm0, $0xb8;
	[tilespmem:$0x16C00] =	vst v63  }
0x11e: {  	s9 =	simm.s32 $0xFC00;
	v3 =	vadd.s32 v1, v3  }
0x11f: {  	[tilespmem:s9], [sflag:$0x2] =	stream.indirect_vreg.gather [hbm4b:s5+s3], $0x80, v4, vm0, $0xb8;
	[tilespmem:$0x16C00] =	vst v63  }
0x120: {  	s12 =	simm.s32 $0x10400  }
0x121: {  	[tilespmem:s12], [sflag:$0x2] =	stream.indirect_vreg.gather [hbm4b:s6+s3], $0x80, v4, vm0, $0xb8;
	[tilespmem:$0x16C00] =	vst v63  }
0x122: {  	s13 =	simm.s32 $0x10C00  }
0x123: {  	[tilespmem:s13], [sflag:$0x2] =	stream.indirect_vreg.gather [hbm4b:s1+s3], $0x80, v3, vm0, $0xb8;
	[tilespmem:$0x16C00] =	vst v63  }
0x124: {  	s14 =	simm.s32 $0x11400  }
0x125: {  	[tilespmem:s14], [sflag:$0x2] =	stream.indirect_vreg.gather [hbm4b:s5+s3], $0x80, v3, vm0, $0xb8;
	[tilespmem:$0x16C00] =	vst v63  }
0x126: {  	s15 =	simm.s32 $0x11C00  }
0x127: {  	[tilespmem:s15], [sflag:$0x2] =	stream.indirect_vreg.gather [hbm4b:s6+s3], $0x80, v3, vm0, $0xb8;
	[tilespmem:$0x16C00] =	vst v63  }
0x128: {  	v3 =	vld [tilespmem:$0x1BE8];
	_ =	sdelay $0x4  }
0x129: {  	v62 =	vshrl.u32 v3, $0x3  }
0x12a: {  	v4 =	vmul.u32 $0x30, v62  }
0x12b: {  	v3 =	vand.u32 $0x7, v3  }
0x12c: {  	v3 =	vor.u32 v3, v4  }
0x12d: {  	v4 =	vperm.xlane v3, v0;
	_ =	sdelay $0x1  }
0x12e: {  	v4 =	vadd.s32 v1, v4;
	_ =	sdelay $0x3  }
0x12f: {  	s16 =	simm.s32 $0x12400;
	v3 =	vperm.xlane v3, v2  }
0x130: {  	[tilespmem:s16], [sflag:$0x2] =	stream.indirect_vreg.gather [hbm4b:s1+s3], $0x80, v4, vm0, $0xb8;
	[tilespmem:$0x16C00] =	vst v63  }
0x131: {  	s17 =	simm.s32 $0x12C00;
	v3 =	vadd.s32 v1, v3  }
0x132: {  	[tilespmem:s17], [sflag:$0x2] =	stream.indirect_vreg.gather [hbm4b:s5+s3], $0x80, v4, vm0, $0xb8;
	[tilespmem:$0x16C00] =	vst v63  }
0x133: {  	s18 =	simm.s32 $0x13400  }
0x134: {  	[tilespmem:s18], [sflag:$0x2] =	stream.indirect_vreg.gather [hbm4b:s6+s3], $0x80, v4, vm0, $0xb8;
	[tilespmem:$0x16C00] =	vst v63  }
0x135: {  	s19 =	simm.s32 $0x13C00  }
0x136: {  	[tilespmem:s19], [sflag:$0x2] =	stream.indirect_vreg.gather [hbm4b:s1+s3], $0x80, v3, vm0, $0xb8;
	[tilespmem:$0x16C00] =	vst v63  }
0x137: {  	s20 =	simm.s32 $0x14400  }
0x138: {  	[tilespmem:s20], [sflag:$0x2] =	stream.indirect_vreg.gather [hbm4b:s5+s3], $0x80, v3, vm0, $0xb8;
	[tilespmem:$0x16C00] =	vst v63  }
0x139: {  	s21 =	simm.s32 $0x14C00  }
0x13a: {  	[tilespmem:s21], [sflag:$0x2] =	stream.indirect_vreg.gather [hbm4b:s6+s3], $0x80, v3, vm0, $0xb8;
	[tilespmem:$0x16C00] =	vst v63  }
0x13b: {  	v3 =	vld.msk [tilespmem:$0x1BF8], $0xff;
	_ =	sdelay $0x4  }
0x13c: {  	v63 =	vshrl.u32 v3, $0x3  }
0x13d: {  	v4 =	vmul.u32 $0x30, v63  }
0x13e: {  	v3 =	vand.u32 $0x7, v3  }
0x13f: {  	v3 =	vor.u32 v3, v4  }
0x140: {  	v3 =	vperm.xlane v3, v0;
	_ =	sdelay $0x1  }
0x141: {  	v3 =	vadd.s32 v1, v3;
	_ =	sdelay $0x3  }
0x142: {  	s22 =	simm.s32 $0x15400  }
0x143: {  	[tilespmem:s22], [sflag:$0x2] =	stream.indirect_vreg.gather [hbm4b:s1+s3], $0x80, v3, vm0, $0xb8;
	[tilespmem:$0x16C00] =	vst v63  }
0x144: {  	s23 =	simm.s32 $0x15C00  }
0x145: {  	[tilespmem:s23], [sflag:$0x2] =	stream.indirect_vreg.gather [hbm4b:s5+s3], $0x80, v3, vm0, $0xb8;
	[tilespmem:$0x16C00] =	vst v63  }
0x146: {  	s24 =	simm.s32 $0x16400  }
0x147: {  	[tilespmem:s24], [sflag:$0x2] =	stream.indirect_vreg.gather [hbm4b:s6+s3], $0x80, v3, vm0, $0xb8;
	[tilespmem:$0x16C00] =	vst v63  }
0x148: {  	_ =	swait.ge [sflag:s29], $0xA800  }
0x149: {  	[sflag:s29] =	ssyncset.done $0x0  }
0x14a: {  	s25 =	rddreg [dreg:$0x7];
	[sflag:s29] =	ssyncadd.s32 $0xFFFF5800  }
0x14b: {  	[hbm4b:s25+s3] =	stream.linear.scatter [tilespmem:s0], [sflag:$0x3], $0xA800, $0x38;
	[tilespmem:$0x16C00] =	vst v63  }
0x14c: {  	_ =	swait.ge [sflag:s10], $0xA800  }
0x14d: {  	[sflag:s10] =	ssyncset.done $0x0  }
0x14e: {  	[sflag:s10] =	ssyncadd.s32 $0xFFFF5800  }
0x14f: {  	_ =	swait.ge [sflag:s30], $0xA800  }
0x150: {  	[sflag:s30] =	ssyncset.done $0x0  }
0x151: {  	s4 =	simm.s32 $0x2400;
	s26 =	rddreg [dreg:$0x8];
	[sflag:s30] =	ssyncadd.s32 $0xFFFF5800  }
0x152: {  	[hbm4b:s26+s3] =	stream.linear.scatter [tilespmem:s11], [sflag:$0x3], $0xA800, $0x38;
	[tilespmem:$0x16C00] =	vst v63  }
0x153: {  	s7 =	simm.s32 $0x2C00;
	s8 =	simm.s32 $0x3400;
	_ =	swait.ge [sflag:s10], $0xA800  }
0x154: {  	s9 =	simm.s32 $0x3C00;
	s12 =	simm.s32 $0x4400;
	s28 =	rddreg [dreg:$0xa]  }
0x155: {  	s13 =	simm.s32 $0x4C00;
	s31 =	rddreg [dreg:$0x9];
	s28 =	sadd.s32 $0x1, s28  }
0x156: {  	s14 =	simm.s32 $0x5400;
	s15 =	simm.s32 $0x5C00;
	p0 =	sne.s32 s28, s31  }
.Ltmp1:
0x157: {  	s16 =	simm.s32 $0x6400;
	s17 =	simm.s32 $0x6C00;
	(pc) =	sbr.rel @p0 .LBB2_1-.Ltmp1, $4  }
0x158: {  	s18 =	simm.s32 $0x7400;
	s19 =	simm.s32 $0x7C00;
	s20 =	simm.s32 $0x8400  }
0x159: {  	s21 =	simm.s32 $0x8C00;
	s22 =	simm.s32 $0x9400;
	s23 =	simm.s32 $0x9C00  }
0x15a: {  	s24 =	simm.s32 $0xA400;
	s25 =	simm.s32 $0xAC00;
	[sflag:s10] =	ssyncset.done $0x0  }
0x15b: {  	s26 =	simm.s32 $0xB400;
	s11 =	simm.s32 $0xBC00;
	[sflag:s10] =	ssyncadd.s32 $0xFFFF5800  }
0x15c: {  	_ =	sfence.sel $0x180000  }
0x15d: {  	[bflag:$0x0] =	sbarrier.arrive $0xFFFF  }
0x15e: {  	_ =	strace $0x90000047  }
0x15f: {  	s0 =	stileid.u32;
	[bflag:$0x2] =	sbarrier.arrive $0xFFFF  }
0x160: {  	p0 =	sne.s32 s0, $0x0;
	s0 =	rddreg [dreg:$0x3]  }
0x161: {  	s0 =	sadd.s32 @!p0 $0x100000, s0  }
0x162: {  	[sflag:s0] =	ssyncadd.tile.s32 @!p0 $0x1;
	_ =	shalt  }
.Lfunc_end2:
_tile_overlayer_lowered:
.L_overlay_start_2:
0x163: {  	(tag) =	ssettag $0x2  }
0x164: {  	s0 =	rddreg [dreg:$0x0];
	s2 =	stileid.u32  }
0x165: {  	s1 =	rddreg [dreg:$0x1];
	p0 =	sne.s32 s2, $0x0  }
0x166: {  	s3 =	rddreg [dreg:$0x2];
	[bflag:$0x3] =	sbarrier.arrive $0xFFFF;
	s2 =	simm.s32 @!p0 $0x1C03  }
0x167: {  	[timem:s3], [sflag:s2] =	dma.local @!p0 [hbm:s0], s1  }
0x168: {  	s0 =	simm.s32 @!p0 $0x3  }
0x169: {  	_ =	swait.ge @!p0 [sflag:s0], s1  }
0x16a: {  	s1 =	ssub.s32 @!p0 $0x0, s1;
	[sflag:s0] =	ssyncset.done @!p0 $0x0  }
0x16b: {  	[sflag:s0] =	ssyncadd.s32 @!p0 s1  }
0x16c: {  	[bflag:$0x3] =	sbarrier.arrive $0xFFFF  }
0x16d: {  	_ =	shalt  }

</sc_bundles>
